<compile_context>
chip_gen: v7x
topology: tpu7x:2x2x1
jax: 0.10.2.dev20260603
libtpu: 0.0.44.dev20260713+nightly
codegen_flags: <defaults>
</compile_context>

<pallas_src>
import functools

import jax
import jax.numpy as jnp
from jax import lax
from jax.experimental import pallas as pl
from jax.experimental.pallas import tpu as pltpu
from jax.experimental.pallas import tpu_sc as plsc




def _qfull_body(h_ref, tbp_ref, wq1_ref, wq2_ref, bq_ref, out_ref):
    ztf = jnp.cos(tbp_ref[...])
    qc = jnp.dot(ztf, wq2_ref[...], preferred_element_type=jnp.float32)
    out_ref[...] = (
        jnp.dot(h_ref[...], wq1_ref[...], preferred_element_type=jnp.float32)
        + qc + bq_ref[...]
    )


def _edge_body(hs_ref, ef_ref, dt_ref, qg_ref, twp_ref, tbp_ref,
               wk1_ref, wk2_ref, wk3_ref, bk_ref,
               wv1_ref, wv2_ref, wv3_ref, bv_ref,
               vw_ref, ex_ref, *, dh):
    tf = jnp.cos(dt_ref[...] * twp_ref[...] + tbp_ref[...])
    hs = hs_ref[...]
    ef = ef_ref[...]
    k = (jnp.dot(hs, wk1_ref[...], preferred_element_type=jnp.float32)
         + jnp.dot(ef, wk2_ref[...], preferred_element_type=jnp.float32)
         + jnp.dot(tf, wk3_ref[...], preferred_element_type=jnp.float32)
         + bk_ref[...])
    v = (jnp.dot(hs, wv1_ref[...], preferred_element_type=jnp.float32)
         + jnp.dot(ef, wv2_ref[...], preferred_element_type=jnp.float32)
         + jnp.dot(tf, wv3_ref[...], preferred_element_type=jnp.float32)
         + bv_ref[...])
    qk = qg_ref[...] * k
    s0 = jnp.sum(qk[:, :dh], axis=1, keepdims=True)
    s1 = jnp.sum(qk[:, dh:], axis=1, keepdims=True)
    s0 = jnp.where(s0 >= 0.0, s0, 0.2 * s0)
    s1 = jnp.where(s1 >= 0.0, s1, 0.2 * s1)
    e0 = jnp.exp(s0)
    e1 = jnp.exp(s1)
    lane = lax.broadcasted_iota(jnp.int32, v.shape, 1)
    vw_ref[...] = v * jnp.where(lane < dh, e0, e1)
    ex_ref[...] = jnp.where(lane == 0, e0, jnp.where(lane == 1, e1, 0.0))


def _final_body(pv_ref, pe_ref, hd_ref, wo1_ref, wo2_ref, bo_ref,
                g_ref, b_ref, out_ref, *, dh):
    accv = pv_ref[0] + pv_ref[1]
    acce = pe_ref[0] + pe_ref[1]
    d0 = acce[:, 0:1]
    d1 = acce[:, 1:2]
    lane = lax.broadcasted_iota(jnp.int32, accv.shape, 1)
    den = jnp.where(lane < dh, d0, d1)
    agg = accv / jnp.maximum(den, 1e-16)
    rst = (jnp.dot(agg, wo1_ref[...], preferred_element_type=jnp.float32)
           + jnp.dot(hd_ref[...], wo2_ref[...], preferred_element_type=jnp.float32)
           + bo_ref[...])
    rst = jnp.maximum(rst, 0.0)
    mu = jnp.mean(rst, axis=-1, keepdims=True)
    xc = rst - mu
    var = jnp.mean(xc * xc, axis=-1, keepdims=True)
    out_ref[...] = xc / jnp.sqrt(var + 1e-5) * g_ref[...] + b_ref[...]




def _sc_gather(qfull, dst2d, dsttab, *, e_rows):
    info = plsc.get_sparse_core_info()
    nc, ns = info.num_cores, info.num_subcores
    nw = nc * ns
    n_dst, d = qfull.shape
    mesh = plsc.VectorSubcoreMesh(core_axis_name="c", subcore_axis_name="s")

    base = (e_rows // nw) & ~1
    nbig = (e_rows - nw * base) // 2

    @functools.partial(
        pl.kernel, mesh=mesh,
        compiler_params=pltpu.CompilerParams(needs_layout_passes=False),
        out_type=jax.ShapeDtypeStruct((e_rows * 128, d), jnp.float32),
        scratch_types=[
            pltpu.VMEM((n_dst,), jnp.int32),
            pltpu.VMEM((2, 128), jnp.int32),
            pltpu.VMEM((2, 128), jnp.int32),
            pltpu.VMEM((256, d), jnp.float32),
            pltpu.SemaphoreType.DMA,
            pltpu.SemaphoreType.DMA,
            pltpu.SemaphoreType.DMA,
            pltpu.SemaphoreType.DMA,
        ],
    )
    def k(qfull_hbm, dst2d_hbm, dsttab_hbm, qg_hbm, tab_v, di_v, idx2_v, qbuf,
          sem_i, sem_g0, sem_g1, sem_s):
        w = lax.axis_index("s") * nc + lax.axis_index("c")
        pltpu.sync_copy(dsttab_hbm, tab_v)
        lo = jnp.where(w < nbig, w * (base + 2), nbig * 2 + w * base)
        np2 = jnp.where(w < nbig, (base + 2) // 2, base // 2)
        half0 = qbuf.at[pl.ds(0, 128)]
        half1 = qbuf.at[pl.ds(128, 128)]

        def body(p, _):
            q0 = lo + 2 * p
            pltpu.async_copy(dst2d_hbm.at[pl.ds(q0, 2)], di_v, sem_i).wait()
            for r in range(2):
                for j in range(8):
                    ds = pl.ds(j * 16, 16)
                    idx2_v[r, ds] = plsc.load_gather(tab_v, [di_v[r, ds]])

            @pl.when(p > 0)
            def _():
                pltpu.make_async_copy(
                    qbuf, qg_hbm.at[pl.ds((q0 - 2) * 128, 256)], sem_s).wait()

            g0 = pltpu.async_copy(qfull_hbm.at[idx2_v.at[0]], half0, sem_g0)
            g1 = pltpu.async_copy(qfull_hbm.at[idx2_v.at[1]], half1, sem_g1)
            g0.wait()
            g1.wait()
            pltpu.make_async_copy(
                qbuf, qg_hbm.at[pl.ds(q0 * 128, 256)], sem_s).start()
            return q0

        last = lax.fori_loop(0, np2, body, 0)
        pltpu.make_async_copy(
            qbuf, qg_hbm.at[pl.ds(last * 128, 256)], sem_s).wait()

    return k(qfull, dst2d, dsttab)


def _sc_scatter(vw, dst2d, zv, *, e_rows, n_pad):
    info = plsc.get_sparse_core_info()
    nc, ns = info.num_cores, info.num_subcores
    d = vw.shape[1]
    rows_per_s = n_pad // ns
    mesh = plsc.VectorSubcoreMesh(core_axis_name="c", subcore_axis_name="s")

    half = e_rows // nc
    base = (half // ns) & ~1
    nbig = (half - ns * base) // 2

    @functools.partial(
        pl.kernel, mesh=mesh,
        compiler_params=pltpu.CompilerParams(needs_layout_passes=False),
        out_type=jax.ShapeDtypeStruct((nc, n_pad, d), jnp.float32),
        scratch_types=[
            pltpu.VMEM((2, 128), jnp.int32),
            pltpu.VMEM((256, d), jnp.float32),
            pltpu.VMEM_SHARED((n_pad, d), jnp.float32),
            pltpu.SemaphoreType.DMA,
            pltpu.SemaphoreType.DMA,
            pltpu.SemaphoreType.DMA,
            pltpu.SemaphoreType.DMA,
        ],
    )
    def k(vw_hbm, dst2d_hbm, zv_hbm, pv_hbm, idx_v, vbuf, accv,
          sem_i, sem_v, sem_s0, sem_s1):
        c = lax.axis_index("c")
        s = lax.axis_index("s")
        rs = pl.ds(s * rows_per_s, rows_per_s)
        pltpu.sync_copy(zv_hbm.at[rs], accv.at[rs])
        plsc.subcore_barrier()

        lo = c * half + jnp.where(s < nbig, s * (base + 2), nbig * 2 + s * base)
        np2 = jnp.where(s < nbig, (base + 2) // 2, base // 2)
        half0 = vbuf.at[pl.ds(0, 128)]
        half1 = vbuf.at[pl.ds(128, 128)]

        def body(p, _):
            q0 = lo + 2 * p

            @pl.when(p > 0)
            def _():
                pltpu.make_async_copy(half0, accv.at[idx_v.at[0]], sem_s0).wait()
                pltpu.make_async_copy(half1, accv.at[idx_v.at[1]], sem_s1).wait()

            i = pltpu.async_copy(dst2d_hbm.at[pl.ds(q0, 2)], idx_v, sem_i)
            v = pltpu.async_copy(vw_hbm.at[pl.ds(q0 * 128, 256)], vbuf, sem_v)
            i.wait()
            v.wait()
            pltpu.async_copy(half0, accv.at[idx_v.at[0]], sem_s0, add=True)
            pltpu.async_copy(half1, accv.at[idx_v.at[1]], sem_s1, add=True)
            return 0

        lax.fori_loop(0, np2, body, 0)
        pltpu.make_async_copy(half0, accv.at[idx_v.at[0]], sem_s0).wait()
        pltpu.make_async_copy(half1, accv.at[idx_v.at[1]], sem_s1).wait()
        plsc.subcore_barrier()
        pltpu.sync_copy(accv.at[rs], pv_hbm.at[c, rs])

    return k(vw, dst2d, zv)




def kernel(h, edge_f, edge_dt, dst_idx, Wq, bq, Wk, bk, Wv, bv, Wo, bo,
           ln_g, ln_b, time_w, time_b):
    e = edge_f.shape[0]
    n_dst = h.shape[0] - e
    d_node = h.shape[1]
    d_edge = edge_f.shape[1]
    d_time = time_w.shape[0]
    d_out = Wq.shape[1]
    dh = d_out // 2
    tp = 128

    f32 = jnp.float32
    twp = jnp.zeros((1, tp), f32).at[0, :d_time].set(time_w)
    tbp = jnp.zeros((1, tp), f32).at[0, :d_time].set(time_b)
    wq1 = Wq[:d_node]
    wq2 = jnp.zeros((tp, d_out), f32).at[:d_time].set(Wq[d_node:])
    wk1, wk2 = Wk[:d_node], Wk[d_node:d_node + d_edge]
    wk3 = jnp.zeros((tp, d_out), f32).at[:d_time].set(Wk[d_node + d_edge:])
    wv1, wv2 = Wv[:d_node], Wv[d_node:d_node + d_edge]
    wv3 = jnp.zeros((tp, d_out), f32).at[:d_time].set(Wv[d_node + d_edge:])
    wo1, wo2 = Wo[:d_out], Wo[d_out:]
    bq2 = bq.reshape(1, d_out)
    bk2 = bk.reshape(1, d_out)
    bv2 = bv.reshape(1, d_out)
    bo2 = bo.reshape(1, d_out)
    g2 = ln_g.reshape(1, d_out)
    b2 = ln_b.reshape(1, d_out)

    dtc = edge_dt.reshape(e, 1)
    dst2d = dst_idx.reshape(e // 128, 128)
    dsttab = dst_idx[:n_dst]

    bq_blk = 2000
    full = lambda shape: pl.BlockSpec(shape, lambda i: (0,) * len(shape))
    qfull = pl.pallas_call(
        _qfull_body,
        grid=(n_dst // bq_blk,),
        in_specs=[
            pl.BlockSpec((bq_blk, d_node), lambda i: (i, 0)),
            full((1, tp)), full((d_node, d_out)), full((tp, d_out)),
            full((1, d_out)),
        ],
        out_specs=pl.BlockSpec((bq_blk, d_out), lambda i: (i, 0)),
        out_shape=jax.ShapeDtypeStruct((n_dst, d_out), f32),
    )(h, tbp, wq1, wq2, bq2)

    qg = _sc_gather(qfull, dst2d, dsttab, e_rows=e // 128)

    be = 2000
    src_off = n_dst // be
    vw, expad = pl.pallas_call(
        functools.partial(_edge_body, dh=dh),
        grid=(e // be,),
        in_specs=[
            pl.BlockSpec((be, d_node), lambda i: (i + src_off, 0)),
            pl.BlockSpec((be, d_edge), lambda i: (i, 0)),
            pl.BlockSpec((be, 1), lambda i: (i, 0)),
            pl.BlockSpec((be, d_out), lambda i: (i, 0)),
            full((1, tp)), full((1, tp)),
            full((d_node, d_out)), full((d_edge, d_out)), full((tp, d_out)),
            full((1, d_out)),
            full((d_node, d_out)), full((d_edge, d_out)), full((tp, d_out)),
            full((1, d_out)),
        ],
        out_specs=[
            pl.BlockSpec((be, d_out), lambda i: (i, 0)),
            pl.BlockSpec((be, d_out), lambda i: (i, 0)),
        ],
        out_shape=[
            jax.ShapeDtypeStruct((e, d_out), f32),
            jax.ShapeDtypeStruct((e, d_out), f32),
        ],
    )(h, edge_f, dtc, qg, twp, tbp,
      wk1, wk2, wk3, bk2, wv1, wv2, wv3, bv2)

    n_pad = ((n_dst + 127) // 128) * 128
    zv = jnp.zeros((n_pad, d_out), f32)
    pv = _sc_scatter(vw, dst2d, zv, e_rows=e // 128, n_pad=n_pad)
    pe = _sc_scatter(expad, dst2d, zv, e_rows=e // 128, n_pad=n_pad)

    bf = 2000
    out = pl.pallas_call(
        functools.partial(_final_body, dh=dh),
        grid=(n_dst // bf,),
        in_specs=[
            pl.BlockSpec((2, bf, d_out), lambda i: (0, i, 0)),
            pl.BlockSpec((2, bf, d_out), lambda i: (0, i, 0)),
            pl.BlockSpec((bf, d_node), lambda i: (i, 0)),
            full((d_out, d_out)), full((d_node, d_out)), full((1, d_out)),
            full((1, d_out)), full((1, d_out)),
        ],
        out_specs=pl.BlockSpec((bf, d_out), lambda i: (i, 0)),
        out_shape=jax.ShapeDtypeStruct((n_dst, d_out), f32),
    )(pv, pe, h, wo1, wo2, bo2, g2, b2)
    return out

# --- scband reference (transcript-rebuilt; emitter-appended) ---
"""Pipeline reference for scband-transformer-attention-layer-61598420959309 (READ-ONLY COPY).

The authoritative reference and input builder live on the scoring server;
editing this copy changes nothing except your own understanding.
"""

import jax, jax.numpy as jnp
import numpy as np

NUM_DST = 10000
E = 320000
D_NODE = 128
D_EDGE = 16
D_TIME = 100
D_OUT = 128
NUM_HEAD = 2


def setup_inputs(seed: int = 0) -> dict:
    key = jax.random.key(seed)
    ks = jax.random.split(key, 16)
    h = jax.random.normal(ks[0], (NUM_DST + E, D_NODE), dtype=jnp.float32)
    edge_f = jax.random.normal(ks[1], (E, D_EDGE), dtype=jnp.float32)
    edge_dt = jax.random.uniform(ks[2], (E,), dtype=jnp.float32) * 100.0
    dst_idx = jax.random.randint(ks[3], (E,), 0, NUM_DST)
    s = 0.05
    Wq = jax.random.normal(ks[4], (D_NODE + D_TIME, D_OUT), dtype=jnp.float32) * s
    bq = jnp.zeros((D_OUT,), dtype=jnp.float32)
    Wk = jax.random.normal(ks[5], (D_NODE + D_EDGE + D_TIME, D_OUT), dtype=jnp.float32) * s
    bk = jnp.zeros((D_OUT,), dtype=jnp.float32)
    Wv = jax.random.normal(ks[6], (D_NODE + D_EDGE + D_TIME, D_OUT), dtype=jnp.float32) * s
    bv = jnp.zeros((D_OUT,), dtype=jnp.float32)
    Wo = jax.random.normal(ks[7], (D_NODE + D_OUT, D_OUT), dtype=jnp.float32) * s
    bo = jnp.zeros((D_OUT,), dtype=jnp.float32)
    ln_g = jnp.ones((D_OUT,), dtype=jnp.float32)
    ln_b = jnp.zeros((D_OUT,), dtype=jnp.float32)
    time_w = jnp.asarray(1.0 / 10 ** np.linspace(0, 9, D_TIME, dtype=np.float32))
    time_b = jnp.zeros((D_TIME,), dtype=jnp.float32)
    return {"h": h, "edge_f": edge_f, "edge_dt": edge_dt, "dst_idx": dst_idx,
            "Wq": Wq, "bq": bq, "Wk": Wk, "bk": bk, "Wv": Wv, "bv": bv,
            "Wo": Wo, "bo": bo, "ln_g": ln_g, "ln_b": ln_b,
            "time_w": time_w, "time_b": time_b}


def reference(h, edge_f, edge_dt, dst_idx, Wq, bq, Wk, bk, Wv, bv, Wo, bo, ln_g, ln_b, time_w, time_b):
    num_dst = h.shape[0] - edge_f.shape[0]
    # TimeEncode: cos(Linear(1->dim)(t))
    time_feat = jnp.cos(edge_dt[:, None] * time_w[None, :] + time_b[None, :])
    zero_time_feat = jnp.cos(jnp.zeros((num_dst, 1), dtype=jnp.float32) * time_w[None, :] + time_b[None, :])
    # Q/K/V projections
    Qfull = jnp.concatenate([h[:num_dst], zero_time_feat], axis=1) @ Wq + bq  # [num_dst, D_OUT]
    Q = Qfull[dst_idx]  # gather per-edge (as in original: [...][b.edges()[1]])
    kv_in = jnp.concatenate([h[num_dst:], edge_f, time_feat], axis=1)
    K = kv_in @ Wk + bk
    V = kv_in @ Wv + bv
    # faithful to original code: second gather Q = Q[b.edges()[1]]
    Q = Q[dst_idx]
    Ecur = Q.shape[0]
    Qh = Q.reshape(Ecur, NUM_HEAD, -1)
    Kh = K.reshape(Ecur, NUM_HEAD, -1)
    Vh = V.reshape(Ecur, NUM_HEAD, -1)
    score = jax.nn.leaky_relu(jnp.sum(Qh * Kh, axis=2), negative_slope=0.2)  # [E, H]
    # edge_softmax over incoming edges per dst node
    smax = jax.ops.segment_max(score, dst_idx, num_segments=num_dst)
    smax = jnp.where(jnp.isfinite(smax), smax, 0.0)
    ex = jnp.exp(score - smax[dst_idx])
    den = jax.ops.segment_sum(ex, dst_idx, num_segments=num_dst)
    att = ex / jnp.maximum(den[dst_idx], 1e-16)
    Vw = (Vh * att[:, :, None]).reshape(Ecur, -1)
    # update_all(copy_u, sum): scatter-add edge messages to dst nodes
    agg = jax.ops.segment_sum(Vw, dst_idx, num_segments=num_dst)
    rst = jnp.concatenate([agg, h[:num_dst]], axis=1) @ Wo + bo
    rst = jax.nn.relu(rst)  # dropout = identity in eval
    mu = jnp.mean(rst, axis=-1, keepdims=True)
    var = jnp.var(rst, axis=-1, keepdims=True)
    out = (rst - mu) / jnp.sqrt(var + 1e-5) * ln_g + ln_b
    return out

if __name__ == "__main__":
    import jax
    _d = setup_inputs()
    print(jax.jit(kernel)(*tuple(_d.values())))

</pallas_src>

<mosaic_0001>
#map = affine_map<(d0, d1) -> (0, 0)>
#map1 = affine_map<(d0, d1) -> (0, 0, 0)>
module attributes {stable_mosaic.version = 14 : i64} {
  func.func @k(%arg0: i32, %arg1: i32, %arg2: memref<320000x128xf32, #tpu.memory_space<hbm>>, %arg3: memref<2500x128xi32, #tpu.memory_space<hbm>>, %arg4: memref<10112x128xf32, #tpu.memory_space<hbm>>, %arg5: memref<2x10112x128xf32, #tpu.memory_space<hbm>>, %arg6: memref<2x128xi32, #tpu.memory_space<vmem>>, %arg7: memref<256x128xf32, #tpu.memory_space<vmem>>, %arg8: memref<10112x128xf32, #tpu.memory_space<vmem_shared>>, %arg9: memref<!tpu.dma_semaphore, #tpu.memory_space<semaphore_mem>>, %arg10: memref<!tpu.dma_semaphore, #tpu.memory_space<semaphore_mem>>, %arg11: memref<!tpu.dma_semaphore, #tpu.memory_space<semaphore_mem>>, %arg12: memref<!tpu.dma_semaphore, #tpu.memory_space<semaphore_mem>>) attributes {dimension_semantics = [#tpu.dimension_semantics<core_parallel>, #tpu.dimension_semantics<subcore_parallel>], iteration_bounds = array<i64: 2, 16>, scalar_prefetch = 0 : i64, scratch_operands = 7 : i64, tpu.core_type = #tpu.core_type<sc_vector_subcore>, window_params = [{transform_indices = #map}, {transform_indices = #map}, {transform_indices = #map}, {transform_indices = #map1}]} {
    %mul3A = arith.constant 632 : i32
    %mul3A_0 = arith.muli %arg1, %mul3A : i32
    "tpu.region"() ({
      %run_scoped3A = tpu.sem_alloc : memref<!tpu.dma_semaphore, #tpu.memory_space<semaphore_mem>>
      %dma_start3A = arith.constant 0 : i32
      %dma_start3A_45 = tpu.memref_slice %arg8[%mul3A_0, %dma_start3A] : memref<10112x128xf32, #tpu.memory_space<vmem_shared>> -> memref<632x128xf32, #tpu.memory_space<vmem_shared>>
      %dma_start3A_46 = arith.constant 0 : i32
      %dma_start3A_47 = tpu.memref_slice %arg4[%mul3A_0, %dma_start3A_46] : memref<10112x128xf32, #tpu.memory_space<hbm>> -> memref<632x128xf32, #tpu.memory_space<hbm>>
      tpu.enqueue_dma source(%dma_start3A_47 : memref<632x128xf32, #tpu.memory_space<hbm>>) target(%dma_start3A_45 : memref<632x128xf32, #tpu.memory_space<vmem_shared>>) target_semaphore(%run_scoped3A : memref<!tpu.dma_semaphore, #tpu.memory_space<semaphore_mem>>)
      %dma_wait3A_48 = arith.constant 0 : i32
      %dma_wait3A_49 = tpu.memref_slice %arg8[%mul3A_0, %dma_wait3A_48] : memref<10112x128xf32, #tpu.memory_space<vmem_shared>> -> memref<632x128xf32, #tpu.memory_space<vmem_shared>>
      %dma_wait3A_50 = arith.constant 0 : i32
      %dma_wait3A_51 = tpu.memref_slice %arg4[%mul3A_0, %dma_wait3A_50] : memref<10112x128xf32, #tpu.memory_space<hbm>> -> memref<632x128xf32, #tpu.memory_space<hbm>>
      tpu.wait_dma2 semaphore(%run_scoped3A : memref<!tpu.dma_semaphore, #tpu.memory_space<semaphore_mem>>) src(%dma_wait3A_51 : memref<632x128xf32, #tpu.memory_space<hbm>>) dst(%dma_wait3A_49 : memref<632x128xf32, #tpu.memory_space<vmem_shared>>)
      tpu.yield
    }) : () -> ()
    %barrier3A = arith.constant 0 : index
    tpu.barrier barrier_id(%barrier3A)
    %mul3A_1 = arith.constant 1250 : i32
    %mul3A_2 = arith.muli %arg0, %mul3A_1 : i32
    %lt3A = arith.constant 1 : i32
    %lt3A_3 = arith.cmpi slt, %arg1, %lt3A : i32
    %mul3A_4 = arith.constant 80 : i32
    %mul3A_5 = arith.muli %arg1, %mul3A_4 : i32
    %mul3A_6 = arith.constant 78 : i32
    %mul3A_7 = arith.muli %arg1, %mul3A_6 : i32
    %add3A = arith.constant 2 : i32
    %add3A_8 = arith.addi %add3A, %mul3A_7 : i32
    %select_n3A = arith.select %lt3A_3, %mul3A_5, %add3A_8 : i32
    %add3A_9 = arith.addi %mul3A_2, %select_n3A : i32
    %lt3A_10 = arith.constant 1 : i32
    %lt3A_11 = arith.cmpi slt, %arg1, %lt3A_10 : i32
    %jit3A = arith.constant 40 : i32
    %jit3A_12 = arith.constant 39 : i32
    %select_n3A_13 = arith.select %lt3A_11, %jit3A, %jit3A_12 : i32
    %while3A = arith.constant 0 : i32
    %while3A_14 = arith.constant 0 : i32
    %while3A_15 = arith.subi %select_n3A_13, %while3A : i32
    %while3A_16 = arith.addi %while3A, %while3A_15 : i32
    %while3A_17 = arith.constant 1 : i32
    %while3A_18 = arith.divsi %while3A_15, %while3A_17 : i32
    %while3A_19 = arith.muli %while3A_18, %while3A_17 : i32
    %while3A_20 = arith.addi %while3A, %while3A_19 : i32
    %while3A_21 = arith.constant 1 : i32
    %while3A_22 = scf.for %while3A_45 = %while3A to %while3A_20 step %while3A_21 iter_args(%while3A_46 = %while3A_14) -> (i32)  : i32 {
      %mul3A_47 = arith.constant 2 : i32
      %mul3A_48 = arith.muli %mul3A_47, %while3A_45 : i32
      %add3A_49 = arith.addi %add3A_9, %mul3A_48 : i32
      %gt3A = arith.constant 0 : i32
      %gt3A_50 = arith.cmpi sgt, %while3A_45, %gt3A : i32
      %convert_element_type3A = arith.extui %gt3A_50 : i1 to i32
      %cond3A = arith.constant 0 : i32
      %cond3A_51 = arith.cmpi ne, %convert_element_type3A, %cond3A : i32
      scf.if %cond3A_51 {
        %dma_wait3A_90 = arith.constant 0 : i32
        %dma_wait3A_91 = arith.constant 0 : i32
        %dma_wait3A_92 = arith.constant 0 : i32
        %dma_wait3A_93 = tpu.memref_slice %arg7[%dma_wait3A_91, %dma_wait3A_92] : memref<256x128xf32, #tpu.memory_space<vmem>> -> memref<128x128xf32, #tpu.memory_space<vmem>>
        %dma_wait3A_94 = arith.constant 0 : i32
        %dma_wait3A_95 = tpu.memref_slice %arg6[%dma_wait3A_90, %dma_wait3A_94] : memref<2x128xi32, #tpu.memory_space<vmem>> -> memref<1x128xi32, #tpu.memory_space<vmem>>
        %dma_wait3A_96 = tpu.memref_squeeze %dma_wait3A_95 : memref<1x128xi32, #tpu.memory_space<vmem>> -> memref<128xi32, #tpu.memory_space<vmem>>
        %dma_wait3A_97 = arith.constant 0 : i32
        %dma_wait3A_98 = arith.constant 0 : i32
        %dma_wait3A_99 = tpu.memref_slice %arg8[%dma_wait3A_97, %dma_wait3A_98] : memref<10112x128xf32, #tpu.memory_space<vmem_shared>> -> memref<10112x128xf32, #tpu.memory_space<vmem_shared>>
        tpu.wait_indirect_dma semaphore(%arg11 : memref<!tpu.dma_semaphore, #tpu.memory_space<semaphore_mem>>) src(%dma_wait3A_93 : memref<128x128xf32, #tpu.memory_space<vmem>>) dst(%dma_wait3A_99 : memref<10112x128xf32, #tpu.memory_space<vmem_shared>>)
        %dma_wait3A_100 = arith.constant 1 : i32
        %dma_wait3A_101 = arith.constant 128 : i32
        %dma_wait3A_102 = arith.constant 0 : i32
        %dma_wait3A_103 = tpu.memref_slice %arg7[%dma_wait3A_101, %dma_wait3A_102] : memref<256x128xf32, #tpu.memory_space<vmem>> -> memref<128x128xf32, #tpu.memory_space<vmem>>
        %dma_wait3A_104 = arith.constant 0 : i32
        %dma_wait3A_105 = tpu.memref_slice %arg6[%dma_wait3A_100, %dma_wait3A_104] : memref<2x128xi32, #tpu.memory_space<vmem>> -> memref<1x128xi32, #tpu.memory_space<vmem>>
        %dma_wait3A_106 = tpu.memref_squeeze %dma_wait3A_105 : memref<1x128xi32, #tpu.memory_space<vmem>> -> memref<128xi32, #tpu.memory_space<vmem>>
        %dma_wait3A_107 = arith.constant 0 : i32
        %dma_wait3A_108 = arith.constant 0 : i32
        %dma_wait3A_109 = tpu.memref_slice %arg8[%dma_wait3A_107, %dma_wait3A_108] : memref<10112x128xf32, #tpu.memory_space<vmem_shared>> -> memref<10112x128xf32, #tpu.memory_space<vmem_shared>>
        tpu.wait_indirect_dma semaphore(%arg12 : memref<!tpu.dma_semaphore, #tpu.memory_space<semaphore_mem>>) src(%dma_wait3A_103 : memref<128x128xf32, #tpu.memory_space<vmem>>) dst(%dma_wait3A_109 : memref<10112x128xf32, #tpu.memory_space<vmem_shared>>)
      } else {
      }
      %dma_start3A = arith.constant 0 : i32
      %dma_start3A_52 = tpu.memref_slice %arg3[%add3A_49, %dma_start3A] : memref<2500x128xi32, #tpu.memory_space<hbm>> -> memref<2x128xi32, #tpu.memory_space<hbm>>
      %dma_start3A_53 = arith.constant 0 : i32
      %dma_start3A_54 = tpu.memref_slice %arg3[%add3A_49, %dma_start3A_53] : memref<2500x128xi32, #tpu.memory_space<hbm>> -> memref<2x128xi32, #tpu.memory_space<hbm>>
      tpu.enqueue_dma source(%dma_start3A_54 : memref<2x128xi32, #tpu.memory_space<hbm>>) target(%arg6 : memref<2x128xi32, #tpu.memory_space<vmem>>) target_semaphore(%arg9 : memref<!tpu.dma_semaphore, #tpu.memory_space<semaphore_mem>>)
      %mul3A_55 = arith.constant 128 : i32
      %mul3A_56 = arith.muli %add3A_49, %mul3A_55 : i32
      %dma_start3A_57 = arith.constant 0 : i32
      %dma_start3A_58 = tpu.memref_slice %arg2[%mul3A_56, %dma_start3A_57] : memref<320000x128xf32, #tpu.memory_space<hbm>> -> memref<256x128xf32, #tpu.memory_space<hbm>>
      %dma_start3A_59 = arith.constant 0 : i32
      %dma_start3A_60 = tpu.memref_slice %arg2[%mul3A_56, %dma_start3A_59] : memref<320000x128xf32, #tpu.memory_space<hbm>> -> memref<256x128xf32, #tpu.memory_space<hbm>>
      tpu.enqueue_dma source(%dma_start3A_60 : memref<256x128xf32, #tpu.memory_space<hbm>>) target(%arg7 : memref<256x128xf32, #tpu.memory_space<vmem>>) target_semaphore(%arg10 : memref<!tpu.dma_semaphore, #tpu.memory_space<semaphore_mem>>)
      %dma_wait3A_61 = arith.constant 0 : i32
      %dma_wait3A_62 = tpu.memref_slice %arg3[%add3A_49, %dma_wait3A_61] : memref<2500x128xi32, #tpu.memory_space<hbm>> -> memref<2x128xi32, #tpu.memory_space<hbm>>
      %dma_wait3A_63 = arith.constant 0 : i32
      %dma_wait3A_64 = tpu.memref_slice %arg3[%add3A_49, %dma_wait3A_63] : memref<2500x128xi32, #tpu.memory_space<hbm>> -> memref<2x128xi32, #tpu.memory_space<hbm>>
      tpu.wait_dma2 semaphore(%arg9 : memref<!tpu.dma_semaphore, #tpu.memory_space<semaphore_mem>>) src(%dma_wait3A_64 : memref<2x128xi32, #tpu.memory_space<hbm>>) dst(%arg6 : memref<2x128xi32, #tpu.memory_space<vmem>>)
      %dma_wait3A_65 = arith.constant 0 : i32
      %dma_wait3A_66 = tpu.memref_slice %arg2[%mul3A_56, %dma_wait3A_65] : memref<320000x128xf32, #tpu.memory_space<hbm>> -> memref<256x128xf32, #tpu.memory_space<hbm>>
      %dma_wait3A_67 = arith.constant 0 : i32
      %dma_wait3A_68 = tpu.memref_slice %arg2[%mul3A_56, %dma_wait3A_67] : memref<320000x128xf32, #tpu.memory_space<hbm>> -> memref<256x128xf32, #tpu.memory_space<hbm>>
      tpu.wait_dma2 semaphore(%arg10 : memref<!tpu.dma_semaphore, #tpu.memory_space<semaphore_mem>>) src(%dma_wait3A_68 : memref<256x128xf32, #tpu.memory_space<hbm>>) dst(%arg7 : memref<256x128xf32, #tpu.memory_space<vmem>>)
      %dma_start3A_69 = arith.constant 0 : i32
      %dma_start3A_70 = arith.constant 0 : i32
      %dma_start3A_71 = arith.constant 0 : i32
      %dma_start3A_72 = tpu.memref_slice %arg7[%dma_start3A_70, %dma_start3A_71] : memref<256x128xf32, #tpu.memory_space<vmem>> -> memref<128x128xf32, #tpu.memory_space<vmem>>
      %dma_start3A_73 = arith.constant 0 : i32
      %dma_start3A_74 = tpu.memref_slice %arg6[%dma_start3A_69, %dma_start3A_73] : memref<2x128xi32, #tpu.memory_space<vmem>> -> memref<1x128xi32, #tpu.memory_space<vmem>>
      %dma_start3A_75 = tpu.memref_squeeze %dma_start3A_74 : memref<1x128xi32, #tpu.memory_space<vmem>> -> memref<128xi32, #tpu.memory_space<vmem>>
      %dma_start3A_76 = arith.constant 0 : i32
      %dma_start3A_77 = arith.constant 0 : i32
      %dma_start3A_78 = tpu.memref_slice %arg8[%dma_start3A_76, %dma_start3A_77] : memref<10112x128xf32, #tpu.memory_space<vmem_shared>> -> memref<10112x128xf32, #tpu.memory_space<vmem_shared>>
      tpu.enqueue_indirect_dma source(%dma_start3A_72 : memref<128x128xf32, #tpu.memory_space<vmem>>) target(%dma_start3A_78 : memref<10112x128xf32, #tpu.memory_space<vmem_shared>>) offsets(%dma_start3A_75 : memref<128xi32, #tpu.memory_space<vmem>>) semaphore(%arg11 : memref<!tpu.dma_semaphore, #tpu.memory_space<semaphore_mem>>) {add = true}
      %dma_start3A_79 = arith.constant 1 : i32
      %dma_start3A_80 = arith.constant 128 : i32
      %dma_start3A_81 = arith.constant 0 : i32
      %dma_start3A_82 = tpu.memref_slice %arg7[%dma_start3A_80, %dma_start3A_81] : memref<256x128xf32, #tpu.memory_space<vmem>> -> memref<128x128xf32, #tpu.memory_space<vmem>>
      %dma_start3A_83 = arith.constant 0 : i32
      %dma_start3A_84 = tpu.memref_slice %arg6[%dma_start3A_79, %dma_start3A_83] : memref<2x128xi32, #tpu.memory_space<vmem>> -> memref<1x128xi32, #tpu.memory_space<vmem>>
      %dma_start3A_85 = tpu.memref_squeeze %dma_start3A_84 : memref<1x128xi32, #tpu.memory_space<vmem>> -> memref<128xi32, #tpu.memory_space<vmem>>
      %dma_start3A_86 = arith.constant 0 : i32
      %dma_start3A_87 = arith.constant 0 : i32
      %dma_start3A_88 = tpu.memref_slice %arg8[%dma_start3A_86, %dma_start3A_87] : memref<10112x128xf32, #tpu.memory_space<vmem_shared>> -> memref<10112x128xf32, #tpu.memory_space<vmem_shared>>
      tpu.enqueue_indirect_dma source(%dma_start3A_82 : memref<128x128xf32, #tpu.memory_space<vmem>>) target(%dma_start3A_88 : memref<10112x128xf32, #tpu.memory_space<vmem_shared>>) offsets(%dma_start3A_85 : memref<128xi32, #tpu.memory_space<vmem>>) semaphore(%arg12 : memref<!tpu.dma_semaphore, #tpu.memory_space<semaphore_mem>>) {add = true}
      %while3A_89 = arith.constant 0 : i32
      scf.yield %while3A_89 : i32
    }
    %while3A_23 = arith.constant 1 : i32
    %while3A_24 = scf.for %while3A_45 = %while3A_20 to %while3A_16 step %while3A_23 iter_args(%while3A_46 = %while3A_22) -> (i32)  : i32 {
      %mul3A_47 = arith.constant 2 : i32
      %mul3A_48 = arith.muli %mul3A_47, %while3A_45 : i32
      %add3A_49 = arith.addi %add3A_9, %mul3A_48 : i32
      %gt3A = arith.constant 0 : i32
      %gt3A_50 = arith.cmpi sgt, %while3A_45, %gt3A : i32
      %convert_element_type3A = arith.extui %gt3A_50 : i1 to i32
      %cond3A = arith.constant 0 : i32
      %cond3A_51 = arith.cmpi ne, %convert_element_type3A, %cond3A : i32
      scf.if %cond3A_51 {
        %dma_wait3A_90 = arith.constant 0 : i32
        %dma_wait3A_91 = arith.constant 0 : i32
        %dma_wait3A_92 = arith.constant 0 : i32
        %dma_wait3A_93 = tpu.memref_slice %arg7[%dma_wait3A_91, %dma_wait3A_92] : memref<256x128xf32, #tpu.memory_space<vmem>> -> memref<128x128xf32, #tpu.memory_space<vmem>>
        %dma_wait3A_94 = arith.constant 0 : i32
        %dma_wait3A_95 = tpu.memref_slice %arg6[%dma_wait3A_90, %dma_wait3A_94] : memref<2x128xi32, #tpu.memory_space<vmem>> -> memref<1x128xi32, #tpu.memory_space<vmem>>
        %dma_wait3A_96 = tpu.memref_squeeze %dma_wait3A_95 : memref<1x128xi32, #tpu.memory_space<vmem>> -> memref<128xi32, #tpu.memory_space<vmem>>
        %dma_wait3A_97 = arith.constant 0 : i32
        %dma_wait3A_98 = arith.constant 0 : i32
        %dma_wait3A_99 = tpu.memref_slice %arg8[%dma_wait3A_97, %dma_wait3A_98] : memref<10112x128xf32, #tpu.memory_space<vmem_shared>> -> memref<10112x128xf32, #tpu.memory_space<vmem_shared>>
        tpu.wait_indirect_dma semaphore(%arg11 : memref<!tpu.dma_semaphore, #tpu.memory_space<semaphore_mem>>) src(%dma_wait3A_93 : memref<128x128xf32, #tpu.memory_space<vmem>>) dst(%dma_wait3A_99 : memref<10112x128xf32, #tpu.memory_space<vmem_shared>>)
        %dma_wait3A_100 = arith.constant 1 : i32
        %dma_wait3A_101 = arith.constant 128 : i32
        %dma_wait3A_102 = arith.constant 0 : i32
        %dma_wait3A_103 = tpu.memref_slice %arg7[%dma_wait3A_101, %dma_wait3A_102] : memref<256x128xf32, #tpu.memory_space<vmem>> -> memref<128x128xf32, #tpu.memory_space<vmem>>
        %dma_wait3A_104 = arith.constant 0 : i32
        %dma_wait3A_105 = tpu.memref_slice %arg6[%dma_wait3A_100, %dma_wait3A_104] : memref<2x128xi32, #tpu.memory_space<vmem>> -> memref<1x128xi32, #tpu.memory_space<vmem>>
        %dma_wait3A_106 = tpu.memref_squeeze %dma_wait3A_105 : memref<1x128xi32, #tpu.memory_space<vmem>> -> memref<128xi32, #tpu.memory_space<vmem>>
        %dma_wait3A_107 = arith.constant 0 : i32
        %dma_wait3A_108 = arith.constant 0 : i32
        %dma_wait3A_109 = tpu.memref_slice %arg8[%dma_wait3A_107, %dma_wait3A_108] : memref<10112x128xf32, #tpu.memory_space<vmem_shared>> -> memref<10112x128xf32, #tpu.memory_space<vmem_shared>>
        tpu.wait_indirect_dma semaphore(%arg12 : memref<!tpu.dma_semaphore, #tpu.memory_space<semaphore_mem>>) src(%dma_wait3A_103 : memref<128x128xf32, #tpu.memory_space<vmem>>) dst(%dma_wait3A_109 : memref<10112x128xf32, #tpu.memory_space<vmem_shared>>)
      } else {
      }
      %dma_start3A = arith.constant 0 : i32
      %dma_start3A_52 = tpu.memref_slice %arg3[%add3A_49, %dma_start3A] : memref<2500x128xi32, #tpu.memory_space<hbm>> -> memref<2x128xi32, #tpu.memory_space<hbm>>
      %dma_start3A_53 = arith.constant 0 : i32
      %dma_start3A_54 = tpu.memref_slice %arg3[%add3A_49, %dma_start3A_53] : memref<2500x128xi32, #tpu.memory_space<hbm>> -> memref<2x128xi32, #tpu.memory_space<hbm>>
      tpu.enqueue_dma source(%dma_start3A_54 : memref<2x128xi32, #tpu.memory_space<hbm>>) target(%arg6 : memref<2x128xi32, #tpu.memory_space<vmem>>) target_semaphore(%arg9 : memref<!tpu.dma_semaphore, #tpu.memory_space<semaphore_mem>>)
      %mul3A_55 = arith.constant 128 : i32
      %mul3A_56 = arith.muli %add3A_49, %mul3A_55 : i32
      %dma_start3A_57 = arith.constant 0 : i32
      %dma_start3A_58 = tpu.memref_slice %arg2[%mul3A_56, %dma_start3A_57] : memref<320000x128xf32, #tpu.memory_space<hbm>> -> memref<256x128xf32, #tpu.memory_space<hbm>>
      %dma_start3A_59 = arith.constant 0 : i32
      %dma_start3A_60 = tpu.memref_slice %arg2[%mul3A_56, %dma_start3A_59] : memref<320000x128xf32, #tpu.memory_space<hbm>> -> memref<256x128xf32, #tpu.memory_space<hbm>>
      tpu.enqueue_dma source(%dma_start3A_60 : memref<256x128xf32, #tpu.memory_space<hbm>>) target(%arg7 : memref<256x128xf32, #tpu.memory_space<vmem>>) target_semaphore(%arg10 : memref<!tpu.dma_semaphore, #tpu.memory_space<semaphore_mem>>)
      %dma_wait3A_61 = arith.constant 0 : i32
      %dma_wait3A_62 = tpu.memref_slice %arg3[%add3A_49, %dma_wait3A_61] : memref<2500x128xi32, #tpu.memory_space<hbm>> -> memref<2x128xi32, #tpu.memory_space<hbm>>
      %dma_wait3A_63 = arith.constant 0 : i32
      %dma_wait3A_64 = tpu.memref_slice %arg3[%add3A_49, %dma_wait3A_63] : memref<2500x128xi32, #tpu.memory_space<hbm>> -> memref<2x128xi32, #tpu.memory_space<hbm>>
      tpu.wait_dma2 semaphore(%arg9 : memref<!tpu.dma_semaphore, #tpu.memory_space<semaphore_mem>>) src(%dma_wait3A_64 : memref<2x128xi32, #tpu.memory_space<hbm>>) dst(%arg6 : memref<2x128xi32, #tpu.memory_space<vmem>>)
      %dma_wait3A_65 = arith.constant 0 : i32
      %dma_wait3A_66 = tpu.memref_slice %arg2[%mul3A_56, %dma_wait3A_65] : memref<320000x128xf32, #tpu.memory_space<hbm>> -> memref<256x128xf32, #tpu.memory_space<hbm>>
      %dma_wait3A_67 = arith.constant 0 : i32
      %dma_wait3A_68 = tpu.memref_slice %arg2[%mul3A_56, %dma_wait3A_67] : memref<320000x128xf32, #tpu.memory_space<hbm>> -> memref<256x128xf32, #tpu.memory_space<hbm>>
      tpu.wait_dma2 semaphore(%arg10 : memref<!tpu.dma_semaphore, #tpu.memory_space<semaphore_mem>>) src(%dma_wait3A_68 : memref<256x128xf32, #tpu.memory_space<hbm>>) dst(%arg7 : memref<256x128xf32, #tpu.memory_space<vmem>>)
      %dma_start3A_69 = arith.constant 0 : i32
      %dma_start3A_70 = arith.constant 0 : i32
      %dma_start3A_71 = arith.constant 0 : i32
      %dma_start3A_72 = tpu.memref_slice %arg7[%dma_start3A_70, %dma_start3A_71] : memref<256x128xf32, #tpu.memory_space<vmem>> -> memref<128x128xf32, #tpu.memory_space<vmem>>
      %dma_start3A_73 = arith.constant 0 : i32
      %dma_start3A_74 = tpu.memref_slice %arg6[%dma_start3A_69, %dma_start3A_73] : memref<2x128xi32, #tpu.memory_space<vmem>> -> memref<1x128xi32, #tpu.memory_space<vmem>>
      %dma_start3A_75 = tpu.memref_squeeze %dma_start3A_74 : memref<1x128xi32, #tpu.memory_space<vmem>> -> memref<128xi32, #tpu.memory_space<vmem>>
      %dma_start3A_76 = arith.constant 0 : i32
      %dma_start3A_77 = arith.constant 0 : i32
      %dma_start3A_78 = tpu.memref_slice %arg8[%dma_start3A_76, %dma_start3A_77] : memref<10112x128xf32, #tpu.memory_space<vmem_shared>> -> memref<10112x128xf32, #tpu.memory_space<vmem_shared>>
      tpu.enqueue_indirect_dma source(%dma_start3A_72 : memref<128x128xf32, #tpu.memory_space<vmem>>) target(%dma_start3A_78 : memref<10112x128xf32, #tpu.memory_space<vmem_shared>>) offsets(%dma_start3A_75 : memref<128xi32, #tpu.memory_space<vmem>>) semaphore(%arg11 : memref<!tpu.dma_semaphore, #tpu.memory_space<semaphore_mem>>) {add = true}
      %dma_start3A_79 = arith.constant 1 : i32
      %dma_start3A_80 = arith.constant 128 : i32
      %dma_start3A_81 = arith.constant 0 : i32
      %dma_start3A_82 = tpu.memref_slice %arg7[%dma_start3A_80, %dma_start3A_81] : memref<256x128xf32, #tpu.memory_space<vmem>> -> memref<128x128xf32, #tpu.memory_space<vmem>>
      %dma_start3A_83 = arith.constant 0 : i32
      %dma_start3A_84 = tpu.memref_slice %arg6[%dma_start3A_79, %dma_start3A_83] : memref<2x128xi32, #tpu.memory_space<vmem>> -> memref<1x128xi32, #tpu.memory_space<vmem>>
      %dma_start3A_85 = tpu.memref_squeeze %dma_start3A_84 : memref<1x128xi32, #tpu.memory_space<vmem>> -> memref<128xi32, #tpu.memory_space<vmem>>
      %dma_start3A_86 = arith.constant 0 : i32
      %dma_start3A_87 = arith.constant 0 : i32
      %dma_start3A_88 = tpu.memref_slice %arg8[%dma_start3A_86, %dma_start3A_87] : memref<10112x128xf32, #tpu.memory_space<vmem_shared>> -> memref<10112x128xf32, #tpu.memory_space<vmem_shared>>
      tpu.enqueue_indirect_dma source(%dma_start3A_82 : memref<128x128xf32, #tpu.memory_space<vmem>>) target(%dma_start3A_88 : memref<10112x128xf32, #tpu.memory_space<vmem_shared>>) offsets(%dma_start3A_85 : memref<128xi32, #tpu.memory_space<vmem>>) semaphore(%arg12 : memref<!tpu.dma_semaphore, #tpu.memory_space<semaphore_mem>>) {add = true}
      %while3A_89 = arith.constant 0 : i32
      scf.yield %while3A_89 : i32
    }
    %dma_wait3A = arith.constant 0 : i32
    %dma_wait3A_25 = arith.constant 0 : i32
    %dma_wait3A_26 = arith.constant 0 : i32
    %dma_wait3A_27 = tpu.memref_slice %arg7[%dma_wait3A_25, %dma_wait3A_26] : memref<256x128xf32, #tpu.memory_space<vmem>> -> memref<128x128xf32, #tpu.memory_space<vmem>>
    %dma_wait3A_28 = arith.constant 0 : i32
    %dma_wait3A_29 = tpu.memref_slice %arg6[%dma_wait3A, %dma_wait3A_28] : memref<2x128xi32, #tpu.memory_space<vmem>> -> memref<1x128xi32, #tpu.memory_space<vmem>>
    %dma_wait3A_30 = tpu.memref_squeeze %dma_wait3A_29 : memref<1x128xi32, #tpu.memory_space<vmem>> -> memref<128xi32, #tpu.memory_space<vmem>>
    %dma_wait3A_31 = arith.constant 0 : i32
    %dma_wait3A_32 = arith.constant 0 : i32
    %dma_wait3A_33 = tpu.memref_slice %arg8[%dma_wait3A_31, %dma_wait3A_32] : memref<10112x128xf32, #tpu.memory_space<vmem_shared>> -> memref<10112x128xf32, #tpu.memory_space<vmem_shared>>
    tpu.wait_indirect_dma semaphore(%arg11 : memref<!tpu.dma_semaphore, #tpu.memory_space<semaphore_mem>>) src(%dma_wait3A_27 : memref<128x128xf32, #tpu.memory_space<vmem>>) dst(%dma_wait3A_33 : memref<10112x128xf32, #tpu.memory_space<vmem_shared>>)
    %dma_wait3A_34 = arith.constant 1 : i32
    %dma_wait3A_35 = arith.constant 128 : i32
    %dma_wait3A_36 = arith.constant 0 : i32
    %dma_wait3A_37 = tpu.memref_slice %arg7[%dma_wait3A_35, %dma_wait3A_36] : memref<256x128xf32, #tpu.memory_space<vmem>> -> memref<128x128xf32, #tpu.memory_space<vmem>>
    %dma_wait3A_38 = arith.constant 0 : i32
    %dma_wait3A_39 = tpu.memref_slice %arg6[%dma_wait3A_34, %dma_wait3A_38] : memref<2x128xi32, #tpu.memory_space<vmem>> -> memref<1x128xi32, #tpu.memory_space<vmem>>
    %dma_wait3A_40 = tpu.memref_squeeze %dma_wait3A_39 : memref<1x128xi32, #tpu.memory_space<vmem>> -> memref<128xi32, #tpu.memory_space<vmem>>
    %dma_wait3A_41 = arith.constant 0 : i32
    %dma_wait3A_42 = arith.constant 0 : i32
    %dma_wait3A_43 = tpu.memref_slice %arg8[%dma_wait3A_41, %dma_wait3A_42] : memref<10112x128xf32, #tpu.memory_space<vmem_shared>> -> memref<10112x128xf32, #tpu.memory_space<vmem_shared>>
    tpu.wait_indirect_dma semaphore(%arg12 : memref<!tpu.dma_semaphore, #tpu.memory_space<semaphore_mem>>) src(%dma_wait3A_37 : memref<128x128xf32, #tpu.memory_space<vmem>>) dst(%dma_wait3A_43 : memref<10112x128xf32, #tpu.memory_space<vmem_shared>>)
    %barrier3A_44 = arith.constant 0 : index
    tpu.barrier barrier_id(%barrier3A_44)
    "tpu.region"() ({
      %run_scoped3A = tpu.sem_alloc : memref<!tpu.dma_semaphore, #tpu.memory_space<semaphore_mem>>
      %dma_start3A = arith.constant 0 : i32
      %dma_start3A_45 = tpu.memref_slice %arg5[%arg0, %mul3A_0, %dma_start3A] : memref<2x10112x128xf32, #tpu.memory_space<hbm>> -> memref<1x632x128xf32, #tpu.memory_space<hbm>>
      %dma_start3A_46 = tpu.memref_squeeze %dma_start3A_45 : memref<1x632x128xf32, #tpu.memory_space<hbm>> -> memref<632x128xf32, #tpu.memory_space<hbm>>
      %dma_start3A_47 = arith.constant 0 : i32
      %dma_start3A_48 = tpu.memref_slice %arg8[%mul3A_0, %dma_start3A_47] : memref<10112x128xf32, #tpu.memory_space<vmem_shared>> -> memref<632x128xf32, #tpu.memory_space<vmem_shared>>
      tpu.enqueue_dma source(%dma_start3A_48 : memref<632x128xf32, #tpu.memory_space<vmem_shared>>) target(%dma_start3A_46 : memref<632x128xf32, #tpu.memory_space<hbm>>) target_semaphore(%run_scoped3A : memref<!tpu.dma_semaphore, #tpu.memory_space<semaphore_mem>>)
      %dma_wait3A_49 = arith.constant 0 : i32
      %dma_wait3A_50 = tpu.memref_slice %arg5[%arg0, %mul3A_0, %dma_wait3A_49] : memref<2x10112x128xf32, #tpu.memory_space<hbm>> -> memref<1x632x128xf32, #tpu.memory_space<hbm>>
      %dma_wait3A_51 = tpu.memref_squeeze %dma_wait3A_50 : memref<1x632x128xf32, #tpu.memory_space<hbm>> -> memref<632x128xf32, #tpu.memory_space<hbm>>
      %dma_wait3A_52 = arith.constant 0 : i32
      %dma_wait3A_53 = tpu.memref_slice %arg8[%mul3A_0, %dma_wait3A_52] : memref<10112x128xf32, #tpu.memory_space<vmem_shared>> -> memref<632x128xf32, #tpu.memory_space<vmem_shared>>
      tpu.wait_dma2 semaphore(%run_scoped3A : memref<!tpu.dma_semaphore, #tpu.memory_space<semaphore_mem>>) src(%dma_wait3A_53 : memref<632x128xf32, #tpu.memory_space<vmem_shared>>) dst(%dma_wait3A_51 : memref<632x128xf32, #tpu.memory_space<hbm>>)
      tpu.yield
    }) : () -> ()
    return
  }
}

#map = affine_map<(d0, d1) -> (0, 0)>
#map1 = affine_map<(d0, d1) -> (0, 0, 0)>
module attributes {stable_mosaic.version = 14 : i64} {
  func.func @k(%arg0: i32, %arg1: i32, %arg2: memref<320000x128xf32, #tpu.memory_space<hbm>>, %arg3: memref<2500x128xi32, #tpu.memory_space<hbm>>, %arg4: memref<10112x128xf32, #tpu.memory_space<hbm>>, %arg5: memref<2x10112x128xf32, #tpu.memory_space<hbm>>, %arg6: memref<2x128xi32, #tpu.memory_space<vmem>>, %arg7: memref<256x128xf32, #tpu.memory_space<vmem>>, %arg8: memref<10112x128xf32, #tpu.memory_space<vmem_shared>>, %arg9: memref<!tpu.dma_semaphore, #tpu.memory_space<semaphore_mem>>, %arg10: memref<!tpu.dma_semaphore, #tpu.memory_space<semaphore_mem>>, %arg11: memref<!tpu.dma_semaphore, #tpu.memory_space<semaphore_mem>>, %arg12: memref<!tpu.dma_semaphore, #tpu.memory_space<semaphore_mem>>) attributes {dimension_semantics = [#tpu.dimension_semantics<core_parallel>, #tpu.dimension_semantics<subcore_parallel>], iteration_bounds = array<i64: 2, 16>, scalar_prefetch = 0 : i64, scratch_operands = 7 : i64, tpu.core_type = #tpu.core_type<sc_vector_subcore>, window_params = [{transform_indices = #map}, {transform_indices = #map}, {transform_indices = #map}, {transform_indices = #map1}]} {
    %mul3A = arith.constant 632 : i32
    %mul3A_0 = arith.muli %arg1, %mul3A : i32
    "tpu.region"() ({
      %run_scoped3A = tpu.sem_alloc : memref<!tpu.dma_semaphore, #tpu.memory_space<semaphore_mem>>
      %dma_start3A = arith.constant 0 : i32
      %dma_start3A_45 = tpu.memref_slice %arg8[%mul3A_0, %dma_start3A] : memref<10112x128xf32, #tpu.memory_space<vmem_shared>> -> memref<632x128xf32, #tpu.memory_space<vmem_shared>>
      %dma_start3A_46 = arith.constant 0 : i32
      %dma_start3A_47 = tpu.memref_slice %arg4[%mul3A_0, %dma_start3A_46] : memref<10112x128xf32, #tpu.memory_space<hbm>> -> memref<632x128xf32, #tpu.memory_space<hbm>>
      tpu.enqueue_dma source(%dma_start3A_47 : memref<632x128xf32, #tpu.memory_space<hbm>>) target(%dma_start3A_45 : memref<632x128xf32, #tpu.memory_space<vmem_shared>>) target_semaphore(%run_scoped3A : memref<!tpu.dma_semaphore, #tpu.memory_space<semaphore_mem>>)
      %dma_wait3A_48 = arith.constant 0 : i32
      %dma_wait3A_49 = tpu.memref_slice %arg8[%mul3A_0, %dma_wait3A_48] : memref<10112x128xf32, #tpu.memory_space<vmem_shared>> -> memref<632x128xf32, #tpu.memory_space<vmem_shared>>
      %dma_wait3A_50 = arith.constant 0 : i32
      %dma_wait3A_51 = tpu.memref_slice %arg4[%mul3A_0, %dma_wait3A_50] : memref<10112x128xf32, #tpu.memory_space<hbm>> -> memref<632x128xf32, #tpu.memory_space<hbm>>
      tpu.wait_dma2 semaphore(%run_scoped3A : memref<!tpu.dma_semaphore, #tpu.memory_space<semaphore_mem>>) src(%dma_wait3A_51 : memref<632x128xf32, #tpu.memory_space<hbm>>) dst(%dma_wait3A_49 : memref<632x128xf32, #tpu.memory_space<vmem_shared>>)
      tpu.yield
    }) : () -> ()
    %barrier3A = arith.constant 0 : index
    tpu.barrier barrier_id(%barrier3A)
    %mul3A_1 = arith.constant 1250 : i32
    %mul3A_2 = arith.muli %arg0, %mul3A_1 : i32
    %lt3A = arith.constant 1 : i32
    %lt3A_3 = arith.cmpi slt, %arg1, %lt3A : i32
    %mul3A_4 = arith.constant 80 : i32
    %mul3A_5 = arith.muli %arg1, %mul3A_4 : i32
    %mul3A_6 = arith.constant 78 : i32
    %mul3A_7 = arith.muli %arg1, %mul3A_6 : i32
    %add3A = arith.constant 2 : i32
    %add3A_8 = arith.addi %add3A, %mul3A_7 : i32
    %select_n3A = arith.select %lt3A_3, %mul3A_5, %add3A_8 : i32
    %add3A_9 = arith.addi %mul3A_2, %select_n3A : i32
    %lt3A_10 = arith.constant 1 : i32
    %lt3A_11 = arith.cmpi slt, %arg1, %lt3A_10 : i32
    %jit3A = arith.constant 40 : i32
    %jit3A_12 = arith.constant 39 : i32
    %select_n3A_13 = arith.select %lt3A_11, %jit3A, %jit3A_12 : i32
    %while3A = arith.constant 0 : i32
    %while3A_14 = arith.constant 0 : i32
    %while3A_15 = arith.subi %select_n3A_13, %while3A : i32
    %while3A_16 = arith.addi %while3A, %while3A_15 : i32
    %while3A_17 = arith.constant 1 : i32
    %while3A_18 = arith.divsi %while3A_15, %while3A_17 : i32
    %while3A_19 = arith.muli %while3A_18, %while3A_17 : i32
    %while3A_20 = arith.addi %while3A, %while3A_19 : i32
    %while3A_21 = arith.constant 1 : i32
    %while3A_22 = scf.for %while3A_45 = %while3A to %while3A_20 step %while3A_21 iter_args(%while3A_46 = %while3A_14) -> (i32)  : i32 {
      %mul3A_47 = arith.constant 2 : i32
      %mul3A_48 = arith.muli %mul3A_47, %while3A_45 : i32
      %add3A_49 = arith.addi %add3A_9, %mul3A_48 : i32
      %gt3A = arith.constant 0 : i32
      %gt3A_50 = arith.cmpi sgt, %while3A_45, %gt3A : i32
      %convert_element_type3A = arith.extui %gt3A_50 : i1 to i32
      %cond3A = arith.constant 0 : i32
      %cond3A_51 = arith.cmpi ne, %convert_element_type3A, %cond3A : i32
      scf.if %cond3A_51 {
        %dma_wait3A_90 = arith.constant 0 : i32
        %dma_wait3A_91 = arith.constant 0 : i32
        %dma_wait3A_92 = arith.constant 0 : i32
        %dma_wait3A_93 = tpu.memref_slice %arg7[%dma_wait3A_91, %dma_wait3A_92] : memref<256x128xf32, #tpu.memory_space<vmem>> -> memref<128x128xf32, #tpu.memory_space<vmem>>
        %dma_wait3A_94 = arith.constant 0 : i32
        %dma_wait3A_95 = tpu.memref_slice %arg6[%dma_wait3A_90, %dma_wait3A_94] : memref<2x128xi32, #tpu.memory_space<vmem>> -> memref<1x128xi32, #tpu.memory_space<vmem>>
        %dma_wait3A_96 = tpu.memref_squeeze %dma_wait3A_95 : memref<1x128xi32, #tpu.memory_space<vmem>> -> memref<128xi32, #tpu.memory_space<vmem>>
        %dma_wait3A_97 = arith.constant 0 : i32
        %dma_wait3A_98 = arith.constant 0 : i32
        %dma_wait3A_99 = tpu.memref_slice %arg8[%dma_wait3A_97, %dma_wait3A_98] : memref<10112x128xf32, #tpu.memory_space<vmem_shared>> -> memref<10112x128xf32, #tpu.memory_space<vmem_shared>>
        tpu.wait_indirect_dma semaphore(%arg11 : memref<!tpu.dma_semaphore, #tpu.memory_space<semaphore_mem>>) src(%dma_wait3A_93 : memref<128x128xf32, #tpu.memory_space<vmem>>) dst(%dma_wait3A_99 : memref<10112x128xf32, #tpu.memory_space<vmem_shared>>)
        %dma_wait3A_100 = arith.constant 1 : i32
        %dma_wait3A_101 = arith.constant 128 : i32
        %dma_wait3A_102 = arith.constant 0 : i32
        %dma_wait3A_103 = tpu.memref_slice %arg7[%dma_wait3A_101, %dma_wait3A_102] : memref<256x128xf32, #tpu.memory_space<vmem>> -> memref<128x128xf32, #tpu.memory_space<vmem>>
        %dma_wait3A_104 = arith.constant 0 : i32
        %dma_wait3A_105 = tpu.memref_slice %arg6[%dma_wait3A_100, %dma_wait3A_104] : memref<2x128xi32, #tpu.memory_space<vmem>> -> memref<1x128xi32, #tpu.memory_space<vmem>>
        %dma_wait3A_106 = tpu.memref_squeeze %dma_wait3A_105 : memref<1x128xi32, #tpu.memory_space<vmem>> -> memref<128xi32, #tpu.memory_space<vmem>>
        %dma_wait3A_107 = arith.constant 0 : i32
        %dma_wait3A_108 = arith.constant 0 : i32
        %dma_wait3A_109 = tpu.memref_slice %arg8[%dma_wait3A_107, %dma_wait3A_108] : memref<10112x128xf32, #tpu.memory_space<vmem_shared>> -> memref<10112x128xf32, #tpu.memory_space<vmem_shared>>
        tpu.wait_indirect_dma semaphore(%arg12 : memref<!tpu.dma_semaphore, #tpu.memory_space<semaphore_mem>>) src(%dma_wait3A_103 : memref<128x128xf32, #tpu.memory_space<vmem>>) dst(%dma_wait3A_109 : memref<10112x128xf32, #tpu.memory_space<vmem_shared>>)
      } else {
      }
      %dma_start3A = arith.constant 0 : i32
      %dma_start3A_52 = tpu.memref_slice %arg3[%add3A_49, %dma_start3A] : memref<2500x128xi32, #tpu.memory_space<hbm>> -> memref<2x128xi32, #tpu.memory_space<hbm>>
      %dma_start3A_53 = arith.constant 0 : i32
      %dma_start3A_54 = tpu.memref_slice %arg3[%add3A_49, %dma_start3A_53] : memref<2500x128xi32, #tpu.memory_space<hbm>> -> memref<2x128xi32, #tpu.memory_space<hbm>>
      tpu.enqueue_dma source(%dma_start3A_54 : memref<2x128xi32, #tpu.memory_space<hbm>>) target(%arg6 : memref<2x128xi32, #tpu.memory_space<vmem>>) target_semaphore(%arg9 : memref<!tpu.dma_semaphore, #tpu.memory_space<semaphore_mem>>)
      %mul3A_55 = arith.constant 128 : i32
      %mul3A_56 = arith.muli %add3A_49, %mul3A_55 : i32
      %dma_start3A_57 = arith.constant 0 : i32
      %dma_start3A_58 = tpu.memref_slice %arg2[%mul3A_56, %dma_start3A_57] : memref<320000x128xf32, #tpu.memory_space<hbm>> -> memref<256x128xf32, #tpu.memory_space<hbm>>
      %dma_start3A_59 = arith.constant 0 : i32
      %dma_start3A_60 = tpu.memref_slice %arg2[%mul3A_56, %dma_start3A_59] : memref<320000x128xf32, #tpu.memory_space<hbm>> -> memref<256x128xf32, #tpu.memory_space<hbm>>
      tpu.enqueue_dma source(%dma_start3A_60 : memref<256x128xf32, #tpu.memory_space<hbm>>) target(%arg7 : memref<256x128xf32, #tpu.memory_space<vmem>>) target_semaphore(%arg10 : memref<!tpu.dma_semaphore, #tpu.memory_space<semaphore_mem>>)
      %dma_wait3A_61 = arith.constant 0 : i32
      %dma_wait3A_62 = tpu.memref_slice %arg3[%add3A_49, %dma_wait3A_61] : memref<2500x128xi32, #tpu.memory_space<hbm>> -> memref<2x128xi32, #tpu.memory_space<hbm>>
      %dma_wait3A_63 = arith.constant 0 : i32
      %dma_wait3A_64 = tpu.memref_slice %arg3[%add3A_49, %dma_wait3A_63] : memref<2500x128xi32, #tpu.memory_space<hbm>> -> memref<2x128xi32, #tpu.memory_space<hbm>>
      tpu.wait_dma2 semaphore(%arg9 : memref<!tpu.dma_semaphore, #tpu.memory_space<semaphore_mem>>) src(%dma_wait3A_64 : memref<2x128xi32, #tpu.memory_space<hbm>>) dst(%arg6 : memref<2x128xi32, #tpu.memory_space<vmem>>)
      %dma_wait3A_65 = arith.constant 0 : i32
      %dma_wait3A_66 = tpu.memref_slice %arg2[%mul3A_56, %dma_wait3A_65] : memref<320000x128xf32, #tpu.memory_space<hbm>> -> memref<256x128xf32, #tpu.memory_space<hbm>>
      %dma_wait3A_67 = arith.constant 0 : i32
      %dma_wait3A_68 = tpu.memref_slice %arg2[%mul3A_56, %dma_wait3A_67] : memref<320000x128xf32, #tpu.memory_space<hbm>> -> memref<256x128xf32, #tpu.memory_space<hbm>>
      tpu.wait_dma2 semaphore(%arg10 : memref<!tpu.dma_semaphore, #tpu.memory_space<semaphore_mem>>) src(%dma_wait3A_68 : memref<256x128xf32, #tpu.memory_space<hbm>>) dst(%arg7 : memref<256x128xf32, #tpu.memory_space<vmem>>)
      %dma_start3A_69 = arith.constant 0 : i32
      %dma_start3A_70 = arith.constant 0 : i32
      %dma_start3A_71 = arith.constant 0 : i32
      %dma_start3A_72 = tpu.memref_slice %arg7[%dma_start3A_70, %dma_start3A_71] : memref<256x128xf32, #tpu.memory_space<vmem>> -> memref<128x128xf32, #tpu.memory_space<vmem>>
      %dma_start3A_73 = arith.constant 0 : i32
      %dma_start3A_74 = tpu.memref_slice %arg6[%dma_start3A_69, %dma_start3A_73] : memref<2x128xi32, #tpu.memory_space<vmem>> -> memref<1x128xi32, #tpu.memory_space<vmem>>
      %dma_start3A_75 = tpu.memref_squeeze %dma_start3A_74 : memref<1x128xi32, #tpu.memory_space<vmem>> -> memref<128xi32, #tpu.memory_space<vmem>>
      %dma_start3A_76 = arith.constant 0 : i32
      %dma_start3A_77 = arith.constant 0 : i32
      %dma_start3A_78 = tpu.memref_slice %arg8[%dma_start3A_76, %dma_start3A_77] : memref<10112x128xf32, #tpu.memory_space<vmem_shared>> -> memref<10112x128xf32, #tpu.memory_space<vmem_shared>>
      tpu.enqueue_indirect_dma source(%dma_start3A_72 : memref<128x128xf32, #tpu.memory_space<vmem>>) target(%dma_start3A_78 : memref<10112x128xf32, #tpu.memory_space<vmem_shared>>) offsets(%dma_start3A_75 : memref<128xi32, #tpu.memory_space<vmem>>) semaphore(%arg11 : memref<!tpu.dma_semaphore, #tpu.memory_space<semaphore_mem>>) {add = true}
      %dma_start3A_79 = arith.constant 1 : i32
      %dma_start3A_80 = arith.constant 128 : i32
      %dma_start3A_81 = arith.constant 0 : i32
      %dma_start3A_82 = tpu.memref_slice %arg7[%dma_start3A_80, %dma_start3A_81] : memref<256x128xf32, #tpu.memory_space<vmem>> -> memref<128x128xf32, #tpu.memory_space<vmem>>
      %dma_start3A_83 = arith.constant 0 : i32
      %dma_start3A_84 = tpu.memref_slice %arg6[%dma_start3A_79, %dma_start3A_83] : memref<2x128xi32, #tpu.memory_space<vmem>> -> memref<1x128xi32, #tpu.memory_space<vmem>>
      %dma_start3A_85 = tpu.memref_squeeze %dma_start3A_84 : memref<1x128xi32, #tpu.memory_space<vmem>> -> memref<128xi32, #tpu.memory_space<vmem>>
      %dma_start3A_86 = arith.constant 0 : i32
      %dma_start3A_87 = arith.constant 0 : i32
      %dma_start3A_88 = tpu.memref_slice %arg8[%dma_start3A_86, %dma_start3A_87] : memref<10112x128xf32, #tpu.memory_space<vmem_shared>> -> memref<10112x128xf32, #tpu.memory_space<vmem_shared>>
      tpu.enqueue_indirect_dma source(%dma_start3A_82 : memref<128x128xf32, #tpu.memory_space<vmem>>) target(%dma_start3A_88 : memref<10112x128xf32, #tpu.memory_space<vmem_shared>>) offsets(%dma_start3A_85 : memref<128xi32, #tpu.memory_space<vmem>>) semaphore(%arg12 : memref<!tpu.dma_semaphore, #tpu.memory_space<semaphore_mem>>) {add = true}
      %while3A_89 = arith.constant 0 : i32
      scf.yield %while3A_89 : i32
    }
    %while3A_23 = arith.constant 1 : i32
    %while3A_24 = scf.for %while3A_45 = %while3A_20 to %while3A_16 step %while3A_23 iter_args(%while3A_46 = %while3A_22) -> (i32)  : i32 {
      %mul3A_47 = arith.constant 2 : i32
      %mul3A_48 = arith.muli %mul3A_47, %while3A_45 : i32
      %add3A_49 = arith.addi %add3A_9, %mul3A_48 : i32
      %gt3A = arith.constant 0 : i32
      %gt3A_50 = arith.cmpi sgt, %while3A_45, %gt3A : i32
      %convert_element_type3A = arith.extui %gt3A_50 : i1 to i32
      %cond3A = arith.constant 0 : i32
      %cond3A_51 = arith.cmpi ne, %convert_element_type3A, %cond3A : i32
      scf.if %cond3A_51 {
        %dma_wait3A_90 = arith.constant 0 : i32
        %dma_wait3A_91 = arith.constant 0 : i32
        %dma_wait3A_92 = arith.constant 0 : i32
        %dma_wait3A_93 = tpu.memref_slice %arg7[%dma_wait3A_91, %dma_wait3A_92] : memref<256x128xf32, #tpu.memory_space<vmem>> -> memref<128x128xf32, #tpu.memory_space<vmem>>
        %dma_wait3A_94 = arith.constant 0 : i32
        %dma_wait3A_95 = tpu.memref_slice %arg6[%dma_wait3A_90, %dma_wait3A_94] : memref<2x128xi32, #tpu.memory_space<vmem>> -> memref<1x128xi32, #tpu.memory_space<vmem>>
        %dma_wait3A_96 = tpu.memref_squeeze %dma_wait3A_95 : memref<1x128xi32, #tpu.memory_space<vmem>> -> memref<128xi32, #tpu.memory_space<vmem>>
        %dma_wait3A_97 = arith.constant 0 : i32
        %dma_wait3A_98 = arith.constant 0 : i32
        %dma_wait3A_99 = tpu.memref_slice %arg8[%dma_wait3A_97, %dma_wait3A_98] : memref<10112x128xf32, #tpu.memory_space<vmem_shared>> -> memref<10112x128xf32, #tpu.memory_space<vmem_shared>>
        tpu.wait_indirect_dma semaphore(%arg11 : memref<!tpu.dma_semaphore, #tpu.memory_space<semaphore_mem>>) src(%dma_wait3A_93 : memref<128x128xf32, #tpu.memory_space<vmem>>) dst(%dma_wait3A_99 : memref<10112x128xf32, #tpu.memory_space<vmem_shared>>)
        %dma_wait3A_100 = arith.constant 1 : i32
        %dma_wait3A_101 = arith.constant 128 : i32
        %dma_wait3A_102 = arith.constant 0 : i32
        %dma_wait3A_103 = tpu.memref_slice %arg7[%dma_wait3A_101, %dma_wait3A_102] : memref<256x128xf32, #tpu.memory_space<vmem>> -> memref<128x128xf32, #tpu.memory_space<vmem>>
        %dma_wait3A_104 = arith.constant 0 : i32
        %dma_wait3A_105 = tpu.memref_slice %arg6[%dma_wait3A_100, %dma_wait3A_104] : memref<2x128xi32, #tpu.memory_space<vmem>> -> memref<1x128xi32, #tpu.memory_space<vmem>>
        %dma_wait3A_106 = tpu.memref_squeeze %dma_wait3A_105 : memref<1x128xi32, #tpu.memory_space<vmem>> -> memref<128xi32, #tpu.memory_space<vmem>>
        %dma_wait3A_107 = arith.constant 0 : i32
        %dma_wait3A_108 = arith.constant 0 : i32
        %dma_wait3A_109 = tpu.memref_slice %arg8[%dma_wait3A_107, %dma_wait3A_108] : memref<10112x128xf32, #tpu.memory_space<vmem_shared>> -> memref<10112x128xf32, #tpu.memory_space<vmem_shared>>
        tpu.wait_indirect_dma semaphore(%arg12 : memref<!tpu.dma_semaphore, #tpu.memory_space<semaphore_mem>>) src(%dma_wait3A_103 : memref<128x128xf32, #tpu.memory_space<vmem>>) dst(%dma_wait3A_109 : memref<10112x128xf32, #tpu.memory_space<vmem_shared>>)
      } else {
      }
      %dma_start3A = arith.constant 0 : i32
      %dma_start3A_52 = tpu.memref_slice %arg3[%add3A_49, %dma_start3A] : memref<2500x128xi32, #tpu.memory_space<hbm>> -> memref<2x128xi32, #tpu.memory_space<hbm>>
      %dma_start3A_53 = arith.constant 0 : i32
      %dma_start3A_54 = tpu.memref_slice %arg3[%add3A_49, %dma_start3A_53] : memref<2500x128xi32, #tpu.memory_space<hbm>> -> memref<2x128xi32, #tpu.memory_space<hbm>>
      tpu.enqueue_dma source(%dma_start3A_54 : memref<2x128xi32, #tpu.memory_space<hbm>>) target(%arg6 : memref<2x128xi32, #tpu.memory_space<vmem>>) target_semaphore(%arg9 : memref<!tpu.dma_semaphore, #tpu.memory_space<semaphore_mem>>)
      %mul3A_55 = arith.constant 128 : i32
      %mul3A_56 = arith.muli %add3A_49, %mul3A_55 : i32
      %dma_start3A_57 = arith.constant 0 : i32
      %dma_start3A_58 = tpu.memref_slice %arg2[%mul3A_56, %dma_start3A_57] : memref<320000x128xf32, #tpu.memory_space<hbm>> -> memref<256x128xf32, #tpu.memory_space<hbm>>
      %dma_start3A_59 = arith.constant 0 : i32
      %dma_start3A_60 = tpu.memref_slice %arg2[%mul3A_56, %dma_start3A_59] : memref<320000x128xf32, #tpu.memory_space<hbm>> -> memref<256x128xf32, #tpu.memory_space<hbm>>
      tpu.enqueue_dma source(%dma_start3A_60 : memref<256x128xf32, #tpu.memory_space<hbm>>) target(%arg7 : memref<256x128xf32, #tpu.memory_space<vmem>>) target_semaphore(%arg10 : memref<!tpu.dma_semaphore, #tpu.memory_space<semaphore_mem>>)
      %dma_wait3A_61 = arith.constant 0 : i32
      %dma_wait3A_62 = tpu.memref_slice %arg3[%add3A_49, %dma_wait3A_61] : memref<2500x128xi32, #tpu.memory_space<hbm>> -> memref<2x128xi32, #tpu.memory_space<hbm>>
      %dma_wait3A_63 = arith.constant 0 : i32
      %dma_wait3A_64 = tpu.memref_slice %arg3[%add3A_49, %dma_wait3A_63] : memref<2500x128xi32, #tpu.memory_space<hbm>> -> memref<2x128xi32, #tpu.memory_space<hbm>>
      tpu.wait_dma2 semaphore(%arg9 : memref<!tpu.dma_semaphore, #tpu.memory_space<semaphore_mem>>) src(%dma_wait3A_64 : memref<2x128xi32, #tpu.memory_space<hbm>>) dst(%arg6 : memref<2x128xi32, #tpu.memory_space<vmem>>)
      %dma_wait3A_65 = arith.constant 0 : i32
      %dma_wait3A_66 = tpu.memref_slice %arg2[%mul3A_56, %dma_wait3A_65] : memref<320000x128xf32, #tpu.memory_space<hbm>> -> memref<256x128xf32, #tpu.memory_space<hbm>>
      %dma_wait3A_67 = arith.constant 0 : i32
      %dma_wait3A_68 = tpu.memref_slice %arg2[%mul3A_56, %dma_wait3A_67] : memref<320000x128xf32, #tpu.memory_space<hbm>> -> memref<256x128xf32, #tpu.memory_space<hbm>>
      tpu.wait_dma2 semaphore(%arg10 : memref<!tpu.dma_semaphore, #tpu.memory_space<semaphore_mem>>) src(%dma_wait3A_68 : memref<256x128xf32, #tpu.memory_space<hbm>>) dst(%arg7 : memref<256x128xf32, #tpu.memory_space<vmem>>)
      %dma_start3A_69 = arith.constant 0 : i32
      %dma_start3A_70 = arith.constant 0 : i32
      %dma_start3A_71 = arith.constant 0 : i32
      %dma_start3A_72 = tpu.memref_slice %arg7[%dma_start3A_70, %dma_start3A_71] : memref<256x128xf32, #tpu.memory_space<vmem>> -> memref<128x128xf32, #tpu.memory_space<vmem>>
      %dma_start3A_73 = arith.constant 0 : i32
      %dma_start3A_74 = tpu.memref_slice %arg6[%dma_start3A_69, %dma_start3A_73] : memref<2x128xi32, #tpu.memory_space<vmem>> -> memref<1x128xi32, #tpu.memory_space<vmem>>
      %dma_start3A_75 = tpu.memref_squeeze %dma_start3A_74 : memref<1x128xi32, #tpu.memory_space<vmem>> -> memref<128xi32, #tpu.memory_space<vmem>>
      %dma_start3A_76 = arith.constant 0 : i32
      %dma_start3A_77 = arith.constant 0 : i32
      %dma_start3A_78 = tpu.memref_slice %arg8[%dma_start3A_76, %dma_start3A_77] : memref<10112x128xf32, #tpu.memory_space<vmem_shared>> -> memref<10112x128xf32, #tpu.memory_space<vmem_shared>>
      tpu.enqueue_indirect_dma source(%dma_start3A_72 : memref<128x128xf32, #tpu.memory_space<vmem>>) target(%dma_start3A_78 : memref<10112x128xf32, #tpu.memory_space<vmem_shared>>) offsets(%dma_start3A_75 : memref<128xi32, #tpu.memory_space<vmem>>) semaphore(%arg11 : memref<!tpu.dma_semaphore, #tpu.memory_space<semaphore_mem>>) {add = true}
      %dma_start3A_79 = arith.constant 1 : i32
      %dma_start3A_80 = arith.constant 128 : i32
      %dma_start3A_81 = arith.constant 0 : i32
      %dma_start3A_82 = tpu.memref_slice %arg7[%dma_start3A_80, %dma_start3A_81] : memref<256x128xf32, #tpu.memory_space<vmem>> -> memref<128x128xf32, #tpu.memory_space<vmem>>
      %dma_start3A_83 = arith.constant 0 : i32
      %dma_start3A_84 = tpu.memref_slice %arg6[%dma_start3A_79, %dma_start3A_83] : memref<2x128xi32, #tpu.memory_space<vmem>> -> memref<1x128xi32, #tpu.memory_space<vmem>>
      %dma_start3A_85 = tpu.memref_squeeze %dma_start3A_84 : memref<1x128xi32, #tpu.memory_space<vmem>> -> memref<128xi32, #tpu.memory_space<vmem>>
      %dma_start3A_86 = arith.constant 0 : i32
      %dma_start3A_87 = arith.constant 0 : i32
      %dma_start3A_88 = tpu.memref_slice %arg8[%dma_start3A_86, %dma_start3A_87] : memref<10112x128xf32, #tpu.memory_space<vmem_shared>> -> memref<10112x128xf32, #tpu.memory_space<vmem_shared>>
      tpu.enqueue_indirect_dma source(%dma_start3A_82 : memref<128x128xf32, #tpu.memory_space<vmem>>) target(%dma_start3A_88 : memref<10112x128xf32, #tpu.memory_space<vmem_shared>>) offsets(%dma_start3A_85 : memref<128xi32, #tpu.memory_space<vmem>>) semaphore(%arg12 : memref<!tpu.dma_semaphore, #tpu.memory_space<semaphore_mem>>) {add = true}
      %while3A_89 = arith.constant 0 : i32
      scf.yield %while3A_89 : i32
    }
    %dma_wait3A = arith.constant 0 : i32
    %dma_wait3A_25 = arith.constant 0 : i32
    %dma_wait3A_26 = arith.constant 0 : i32
    %dma_wait3A_27 = tpu.memref_slice %arg7[%dma_wait3A_25, %dma_wait3A_26] : memref<256x128xf32, #tpu.memory_space<vmem>> -> memref<128x128xf32, #tpu.memory_space<vmem>>
    %dma_wait3A_28 = arith.constant 0 : i32
    %dma_wait3A_29 = tpu.memref_slice %arg6[%dma_wait3A, %dma_wait3A_28] : memref<2x128xi32, #tpu.memory_space<vmem>> -> memref<1x128xi32, #tpu.memory_space<vmem>>
    %dma_wait3A_30 = tpu.memref_squeeze %dma_wait3A_29 : memref<1x128xi32, #tpu.memory_space<vmem>> -> memref<128xi32, #tpu.memory_space<vmem>>
    %dma_wait3A_31 = arith.constant 0 : i32
    %dma_wait3A_32 = arith.constant 0 : i32
    %dma_wait3A_33 = tpu.memref_slice %arg8[%dma_wait3A_31, %dma_wait3A_32] : memref<10112x128xf32, #tpu.memory_space<vmem_shared>> -> memref<10112x128xf32, #tpu.memory_space<vmem_shared>>
    tpu.wait_indirect_dma semaphore(%arg11 : memref<!tpu.dma_semaphore, #tpu.memory_space<semaphore_mem>>) src(%dma_wait3A_27 : memref<128x128xf32, #tpu.memory_space<vmem>>) dst(%dma_wait3A_33 : memref<10112x128xf32, #tpu.memory_space<vmem_shared>>)
    %dma_wait3A_34 = arith.constant 1 : i32
    %dma_wait3A_35 = arith.constant 128 : i32
    %dma_wait3A_36 = arith.constant 0 : i32
    %dma_wait3A_37 = tpu.memref_slice %arg7[%dma_wait3A_35, %dma_wait3A_36] : memref<256x128xf32, #tpu.memory_space<vmem>> -> memref<128x128xf32, #tpu.memory_space<vmem>>
    %dma_wait3A_38 = arith.constant 0 : i32
    %dma_wait3A_39 = tpu.memref_slice %arg6[%dma_wait3A_34, %dma_wait3A_38] : memref<2x128xi32, #tpu.memory_space<vmem>> -> memref<1x128xi32, #tpu.memory_space<vmem>>
    %dma_wait3A_40 = tpu.memref_squeeze %dma_wait3A_39 : memref<1x128xi32, #tpu.memory_space<vmem>> -> memref<128xi32, #tpu.memory_space<vmem>>
    %dma_wait3A_41 = arith.constant 0 : i32
    %dma_wait3A_42 = arith.constant 0 : i32
    %dma_wait3A_43 = tpu.memref_slice %arg8[%dma_wait3A_41, %dma_wait3A_42] : memref<10112x128xf32, #tpu.memory_space<vmem_shared>> -> memref<10112x128xf32, #tpu.memory_space<vmem_shared>>
    tpu.wait_indirect_dma semaphore(%arg12 : memref<!tpu.dma_semaphore, #tpu.memory_space<semaphore_mem>>) src(%dma_wait3A_37 : memref<128x128xf32, #tpu.memory_space<vmem>>) dst(%dma_wait3A_43 : memref<10112x128xf32, #tpu.memory_space<vmem_shared>>)
    %barrier3A_44 = arith.constant 0 : index
    tpu.barrier barrier_id(%barrier3A_44)
    "tpu.region"() ({
      %run_scoped3A = tpu.sem_alloc : memref<!tpu.dma_semaphore, #tpu.memory_space<semaphore_mem>>
      %dma_start3A = arith.constant 0 : i32
      %dma_start3A_45 = tpu.memref_slice %arg5[%arg0, %mul3A_0, %dma_start3A] : memref<2x10112x128xf32, #tpu.memory_space<hbm>> -> memref<1x632x128xf32, #tpu.memory_space<hbm>>
      %dma_start3A_46 = tpu.memref_squeeze %dma_start3A_45 : memref<1x632x128xf32, #tpu.memory_space<hbm>> -> memref<632x128xf32, #tpu.memory_space<hbm>>
      %dma_start3A_47 = arith.constant 0 : i32
      %dma_start3A_48 = tpu.memref_slice %arg8[%mul3A_0, %dma_start3A_47] : memref<10112x128xf32, #tpu.memory_space<vmem_shared>> -> memref<632x128xf32, #tpu.memory_space<vmem_shared>>
      tpu.enqueue_dma source(%dma_start3A_48 : memref<632x128xf32, #tpu.memory_space<vmem_shared>>) target(%dma_start3A_46 : memref<632x128xf32, #tpu.memory_space<hbm>>) target_semaphore(%run_scoped3A : memref<!tpu.dma_semaphore, #tpu.memory_space<semaphore_mem>>)
      %dma_wait3A_49 = arith.constant 0 : i32
      %dma_wait3A_50 = tpu.memref_slice %arg5[%arg0, %mul3A_0, %dma_wait3A_49] : memref<2x10112x128xf32, #tpu.memory_space<hbm>> -> memref<1x632x128xf32, #tpu.memory_space<hbm>>
      %dma_wait3A_51 = tpu.memref_squeeze %dma_wait3A_50 : memref<1x632x128xf32, #tpu.memory_space<hbm>> -> memref<632x128xf32, #tpu.memory_space<hbm>>
      %dma_wait3A_52 = arith.constant 0 : i32
      %dma_wait3A_53 = tpu.memref_slice %arg8[%mul3A_0, %dma_wait3A_52] : memref<10112x128xf32, #tpu.memory_space<vmem_shared>> -> memref<632x128xf32, #tpu.memory_space<vmem_shared>>
      tpu.wait_dma2 semaphore(%run_scoped3A : memref<!tpu.dma_semaphore, #tpu.memory_space<semaphore_mem>>) src(%dma_wait3A_53 : memref<632x128xf32, #tpu.memory_space<vmem_shared>>) dst(%dma_wait3A_51 : memref<632x128xf32, #tpu.memory_space<hbm>>)
      tpu.yield
    }) : () -> ()
    return
  }
}

#map = affine_map<(d0, d1) -> (0, 0)>
#map1 = affine_map<(d0, d1) -> (0)>
module attributes {stable_mosaic.version = 14 : i64} {
  func.func @k(%arg0: i32, %arg1: i32, %arg2: memref<10000x128xf32, #tpu.memory_space<hbm>>, %arg3: memref<2500x128xi32, #tpu.memory_space<hbm>>, %arg4: memref<10000xi32, #tpu.memory_space<hbm>>, %arg5: memref<320000x128xf32, #tpu.memory_space<hbm>>, %arg6: memref<10000xi32, #tpu.memory_space<vmem>>, %arg7: memref<2x128xi32, #tpu.memory_space<vmem>>, %arg8: memref<2x128xi32, #tpu.memory_space<vmem>>, %arg9: memref<256x128xf32, #tpu.memory_space<vmem>>, %arg10: memref<!tpu.dma_semaphore, #tpu.memory_space<semaphore_mem>>, %arg11: memref<!tpu.dma_semaphore, #tpu.memory_space<semaphore_mem>>, %arg12: memref<!tpu.dma_semaphore, #tpu.memory_space<semaphore_mem>>, %arg13: memref<!tpu.dma_semaphore, #tpu.memory_space<semaphore_mem>>) attributes {dimension_semantics = [#tpu.dimension_semantics<core_parallel>, #tpu.dimension_semantics<subcore_parallel>], iteration_bounds = array<i64: 2, 16>, scalar_prefetch = 0 : i64, scratch_operands = 8 : i64, tpu.core_type = #tpu.core_type<sc_vector_subcore>, window_params = [{transform_indices = #map}, {transform_indices = #map}, {transform_indices = #map1}, {transform_indices = #map}]} {
    %mul3A = arith.constant 2 : i32
    %mul3A_0 = arith.muli %arg1, %mul3A : i32
    %add3A = arith.addi %mul3A_0, %arg0 : i32
    "tpu.region"() ({
      %run_scoped3A = tpu.sem_alloc : memref<!tpu.dma_semaphore, #tpu.memory_space<semaphore_mem>>
      tpu.enqueue_dma source(%arg4 : memref<10000xi32, #tpu.memory_space<hbm>>) target(%arg6 : memref<10000xi32, #tpu.memory_space<vmem>>) target_semaphore(%run_scoped3A : memref<!tpu.dma_semaphore, #tpu.memory_space<semaphore_mem>>)
      tpu.wait_dma2 semaphore(%run_scoped3A : memref<!tpu.dma_semaphore, #tpu.memory_space<semaphore_mem>>) src(%arg4 : memref<10000xi32, #tpu.memory_space<hbm>>) dst(%arg6 : memref<10000xi32, #tpu.memory_space<vmem>>)
      tpu.yield
    }) : () -> ()
    %lt3A = arith.constant 2 : i32
    %lt3A_1 = arith.cmpi slt, %add3A, %lt3A : i32
    %mul3A_2 = arith.constant 80 : i32
    %mul3A_3 = arith.muli %add3A, %mul3A_2 : i32
    %mul3A_4 = arith.constant 78 : i32
    %mul3A_5 = arith.muli %add3A, %mul3A_4 : i32
    %add3A_6 = arith.constant 4 : i32
    %add3A_7 = arith.addi %add3A_6, %mul3A_5 : i32
    %select_n3A = arith.select %lt3A_1, %mul3A_3, %add3A_7 : i32
    %lt3A_8 = arith.constant 2 : i32
    %lt3A_9 = arith.cmpi slt, %add3A, %lt3A_8 : i32
    %jit3A = arith.constant 40 : i32
    %jit3A_10 = arith.constant 39 : i32
    %select_n3A_11 = arith.select %lt3A_9, %jit3A, %jit3A_10 : i32
    %while3A = arith.constant 0 : i32
    %while3A_12 = arith.constant 0 : i32
    %while3A_13 = arith.subi %select_n3A_11, %while3A : i32
    %while3A_14 = arith.addi %while3A, %while3A_13 : i32
    %while3A_15 = arith.constant 1 : i32
    %while3A_16 = arith.divsi %while3A_13, %while3A_15 : i32
    %while3A_17 = arith.muli %while3A_16, %while3A_15 : i32
    %while3A_18 = arith.addi %while3A, %while3A_17 : i32
    %while3A_19 = arith.constant 1 : i32
    %while3A_20 = scf.for %while3A_28 = %while3A to %while3A_18 step %while3A_19 iter_args(%while3A_29 = %while3A_12) -> (i32)  : i32 {
      %mul3A_30 = arith.constant 2 : i32
      %mul3A_31 = arith.muli %mul3A_30, %while3A_28 : i32
      %add3A_32 = arith.addi %select_n3A, %mul3A_31 : i32
      %dma_start3A = arith.constant 0 : i32
      %dma_start3A_33 = tpu.memref_slice %arg3[%add3A_32, %dma_start3A] : memref<2500x128xi32, #tpu.memory_space<hbm>> -> memref<2x128xi32, #tpu.memory_space<hbm>>
      %dma_start3A_34 = arith.constant 0 : i32
      %dma_start3A_35 = tpu.memref_slice %arg3[%add3A_32, %dma_start3A_34] : memref<2500x128xi32, #tpu.memory_space<hbm>> -> memref<2x128xi32, #tpu.memory_space<hbm>>
      tpu.enqueue_dma source(%dma_start3A_35 : memref<2x128xi32, #tpu.memory_space<hbm>>) target(%arg7 : memref<2x128xi32, #tpu.memory_space<vmem>>) target_semaphore(%arg10 : memref<!tpu.dma_semaphore, #tpu.memory_space<semaphore_mem>>)
      %dma_wait3A_36 = arith.constant 0 : i32
      %dma_wait3A_37 = tpu.memref_slice %arg3[%add3A_32, %dma_wait3A_36] : memref<2500x128xi32, #tpu.memory_space<hbm>> -> memref<2x128xi32, #tpu.memory_space<hbm>>
      %dma_wait3A_38 = arith.constant 0 : i32
      %dma_wait3A_39 = tpu.memref_slice %arg3[%add3A_32, %dma_wait3A_38] : memref<2500x128xi32, #tpu.memory_space<hbm>> -> memref<2x128xi32, #tpu.memory_space<hbm>>
      tpu.wait_dma2 semaphore(%arg10 : memref<!tpu.dma_semaphore, #tpu.memory_space<semaphore_mem>>) src(%dma_wait3A_39 : memref<2x128xi32, #tpu.memory_space<hbm>>) dst(%arg7 : memref<2x128xi32, #tpu.memory_space<vmem>>)
      %get3A = arith.constant 0 : i32
      %get3A_40 = arith.index_cast %get3A : i32 to index
      %get3A_41 = arith.constant 0 : index
      %get3A_42 = tpu.vector_load %arg7[%get3A_40, %get3A_41] {strides = array<i32>} : memref<2x128xi32, #tpu.memory_space<vmem>>, vector<16xi32>,
      %gather3A = tpu.vector_load_idx %arg6[%get3A_42] : memref<10000xi32, #tpu.memory_space<vmem>>[vector<16xi32>], vector<16xi32>,
      %swap3A = arith.constant 0 : i32
      %swap3A_43 = arith.index_cast %swap3A : i32 to index
      %swap3A_44 = arith.constant 0 : index
      %swap3A_45 = tpu.vector_load %arg8[%swap3A_43, %swap3A_44] {strides = array<i32>} : memref<2x128xi32, #tpu.memory_space<vmem>>, vector<16xi32>,
      tpu.vector_store %arg8[%swap3A_43, %swap3A_44], %gather3A {strides = array<i32>} : memref<2x128xi32, #tpu.memory_space<vmem>>, vector<16xi32>,
      %get3A_46 = arith.constant 0 : i32
      %get3A_47 = arith.index_cast %get3A_46 : i32 to index
      %get3A_48 = arith.constant 16 : index
      %get3A_49 = tpu.vector_load %arg7[%get3A_47, %get3A_48] {strides = array<i32>} : memref<2x128xi32, #tpu.memory_space<vmem>>, vector<16xi32>,
      %gather3A_50 = tpu.vector_load_idx %arg6[%get3A_49] : memref<10000xi32, #tpu.memory_space<vmem>>[vector<16xi32>], vector<16xi32>,
      %swap3A_51 = arith.constant 0 : i32
      %swap3A_52 = arith.index_cast %swap3A_51 : i32 to index
      %swap3A_53 = arith.constant 16 : index
      %swap3A_54 = tpu.vector_load %arg8[%swap3A_52, %swap3A_53] {strides = array<i32>} : memref<2x128xi32, #tpu.memory_space<vmem>>, vector<16xi32>,
      tpu.vector_store %arg8[%swap3A_52, %swap3A_53], %gather3A_50 {strides = array<i32>} : memref<2x128xi32, #tpu.memory_space<vmem>>, vector<16xi32>,
      %get3A_55 = arith.constant 0 : i32
      %get3A_56 = arith.index_cast %get3A_55 : i32 to index
      %get3A_57 = arith.constant 32 : index
      %get3A_58 = tpu.vector_load %arg7[%get3A_56, %get3A_57] {strides = array<i32>} : memref<2x128xi32, #tpu.memory_space<vmem>>, vector<16xi32>,
      %gather3A_59 = tpu.vector_load_idx %arg6[%get3A_58] : memref<10000xi32, #tpu.memory_space<vmem>>[vector<16xi32>], vector<16xi32>,
      %swap3A_60 = arith.constant 0 : i32
      %swap3A_61 = arith.index_cast %swap3A_60 : i32 to index
      %swap3A_62 = arith.constant 32 : index
      %swap3A_63 = tpu.vector_load %arg8[%swap3A_61, %swap3A_62] {strides = array<i32>} : memref<2x128xi32, #tpu.memory_space<vmem>>, vector<16xi32>,
      tpu.vector_store %arg8[%swap3A_61, %swap3A_62], %gather3A_59 {strides = array<i32>} : memref<2x128xi32, #tpu.memory_space<vmem>>, vector<16xi32>,
      %get3A_64 = arith.constant 0 : i32
      %get3A_65 = arith.index_cast %get3A_64 : i32 to index
      %get3A_66 = arith.constant 48 : index
      %get3A_67 = tpu.vector_load %arg7[%get3A_65, %get3A_66] {strides = array<i32>} : memref<2x128xi32, #tpu.memory_space<vmem>>, vector<16xi32>,
      %gather3A_68 = tpu.vector_load_idx %arg6[%get3A_67] : memref<10000xi32, #tpu.memory_space<vmem>>[vector<16xi32>], vector<16xi32>,
      %swap3A_69 = arith.constant 0 : i32
      %swap3A_70 = arith.index_cast %swap3A_69 : i32 to index
      %swap3A_71 = arith.constant 48 : index
      %swap3A_72 = tpu.vector_load %arg8[%swap3A_70, %swap3A_71] {strides = array<i32>} : memref<2x128xi32, #tpu.memory_space<vmem>>, vector<16xi32>,
      tpu.vector_store %arg8[%swap3A_70, %swap3A_71], %gather3A_68 {strides = array<i32>} : memref<2x128xi32, #tpu.memory_space<vmem>>, vector<16xi32>,
      %get3A_73 = arith.constant 0 : i32
      %get3A_74 = arith.index_cast %get3A_73 : i32 to index
      %get3A_75 = arith.constant 64 : index
      %get3A_76 = tpu.vector_load %arg7[%get3A_74, %get3A_75] {strides = array<i32>} : memref<2x128xi32, #tpu.memory_space<vmem>>, vector<16xi32>,
      %gather3A_77 = tpu.vector_load_idx %arg6[%get3A_76] : memref<10000xi32, #tpu.memory_space<vmem>>[vector<16xi32>], vector<16xi32>,
      %swap3A_78 = arith.constant 0 : i32
      %swap3A_79 = arith.index_cast %swap3A_78 : i32 to index
      %swap3A_80 = arith.constant 64 : index
      %swap3A_81 = tpu.vector_load %arg8[%swap3A_79, %swap3A_80] {strides = array<i32>} : memref<2x128xi32, #tpu.memory_space<vmem>>, vector<16xi32>,
      tpu.vector_store %arg8[%swap3A_79, %swap3A_80], %gather3A_77 {strides = array<i32>} : memref<2x128xi32, #tpu.memory_space<vmem>>, vector<16xi32>,
      %get3A_82 = arith.constant 0 : i32
      %get3A_83 = arith.index_cast %get3A_82 : i32 to index
      %get3A_84 = arith.constant 80 : index
      %get3A_85 = tpu.vector_load %arg7[%get3A_83, %get3A_84] {strides = array<i32>} : memref<2x128xi32, #tpu.memory_space<vmem>>, vector<16xi32>,
      %gather3A_86 = tpu.vector_load_idx %arg6[%get3A_85] : memref<10000xi32, #tpu.memory_space<vmem>>[vector<16xi32>], vector<16xi32>,
      %swap3A_87 = arith.constant 0 : i32
      %swap3A_88 = arith.index_cast %swap3A_87 : i32 to index
      %swap3A_89 = arith.constant 80 : index
      %swap3A_90 = tpu.vector_load %arg8[%swap3A_88, %swap3A_89] {strides = array<i32>} : memref<2x128xi32, #tpu.memory_space<vmem>>, vector<16xi32>,
      tpu.vector_store %arg8[%swap3A_88, %swap3A_89], %gather3A_86 {strides = array<i32>} : memref<2x128xi32, #tpu.memory_space<vmem>>, vector<16xi32>,
      %get3A_91 = arith.constant 0 : i32
      %get3A_92 = arith.index_cast %get3A_91 : i32 to index
      %get3A_93 = arith.constant 96 : index
      %get3A_94 = tpu.vector_load %arg7[%get3A_92, %get3A_93] {strides = array<i32>} : memref<2x128xi32, #tpu.memory_space<vmem>>, vector<16xi32>,
      %gather3A_95 = tpu.vector_load_idx %arg6[%get3A_94] : memref<10000xi32, #tpu.memory_space<vmem>>[vector<16xi32>], vector<16xi32>,
      %swap3A_96 = arith.constant 0 : i32
      %swap3A_97 = arith.index_cast %swap3A_96 : i32 to index
      %swap3A_98 = arith.constant 96 : index
      %swap3A_99 = tpu.vector_load %arg8[%swap3A_97, %swap3A_98] {strides = array<i32>} : memref<2x128xi32, #tpu.memory_space<vmem>>, vector<16xi32>,
      tpu.vector_store %arg8[%swap3A_97, %swap3A_98], %gather3A_95 {strides = array<i32>} : memref<2x128xi32, #tpu.memory_space<vmem>>, vector<16xi32>,
      %get3A_100 = arith.constant 0 : i32
      %get3A_101 = arith.index_cast %get3A_100 : i32 to index
      %get3A_102 = arith.constant 112 : index
      %get3A_103 = tpu.vector_load %arg7[%get3A_101, %get3A_102] {strides = array<i32>} : memref<2x128xi32, #tpu.memory_space<vmem>>, vector<16xi32>,
      %gather3A_104 = tpu.vector_load_idx %arg6[%get3A_103] : memref<10000xi32, #tpu.memory_space<vmem>>[vector<16xi32>], vector<16xi32>,
      %swap3A_105 = arith.constant 0 : i32
      %swap3A_106 = arith.index_cast %swap3A_105 : i32 to index
      %swap3A_107 = arith.constant 112 : index
      %swap3A_108 = tpu.vector_load %arg8[%swap3A_106, %swap3A_107] {strides = array<i32>} : memref<2x128xi32, #tpu.memory_space<vmem>>, vector<16xi32>,
      tpu.vector_store %arg8[%swap3A_106, %swap3A_107], %gather3A_104 {strides = array<i32>} : memref<2x128xi32, #tpu.memory_space<vmem>>, vector<16xi32>,
      %get3A_109 = arith.constant 1 : i32
      %get3A_110 = arith.index_cast %get3A_109 : i32 to index
      %get3A_111 = arith.constant 0 : index
      %get3A_112 = tpu.vector_load %arg7[%get3A_110, %get3A_111] {strides = array<i32>} : memref<2x128xi32, #tpu.memory_space<vmem>>, vector<16xi32>,
      %gather3A_113 = tpu.vector_load_idx %arg6[%get3A_112] : memref<10000xi32, #tpu.memory_space<vmem>>[vector<16xi32>], vector<16xi32>,
      %swap3A_114 = arith.constant 1 : i32
      %swap3A_115 = arith.index_cast %swap3A_114 : i32 to index
      %swap3A_116 = arith.constant 0 : index
      %swap3A_117 = tpu.vector_load %arg8[%swap3A_115, %swap3A_116] {strides = array<i32>} : memref<2x128xi32, #tpu.memory_space<vmem>>, vector<16xi32>,
      tpu.vector_store %arg8[%swap3A_115, %swap3A_116], %gather3A_113 {strides = array<i32>} : memref<2x128xi32, #tpu.memory_space<vmem>>, vector<16xi32>,
      %get3A_118 = arith.constant 1 : i32
      %get3A_119 = arith.index_cast %get3A_118 : i32 to index
      %get3A_120 = arith.constant 16 : index
      %get3A_121 = tpu.vector_load %arg7[%get3A_119, %get3A_120] {strides = array<i32>} : memref<2x128xi32, #tpu.memory_space<vmem>>, vector<16xi32>,
      %gather3A_122 = tpu.vector_load_idx %arg6[%get3A_121] : memref<10000xi32, #tpu.memory_space<vmem>>[vector<16xi32>], vector<16xi32>,
      %swap3A_123 = arith.constant 1 : i32
      %swap3A_124 = arith.index_cast %swap3A_123 : i32 to index
      %swap3A_125 = arith.constant 16 : index
      %swap3A_126 = tpu.vector_load %arg8[%swap3A_124, %swap3A_125] {strides = array<i32>} : memref<2x128xi32, #tpu.memory_space<vmem>>, vector<16xi32>,
      tpu.vector_store %arg8[%swap3A_124, %swap3A_125], %gather3A_122 {strides = array<i32>} : memref<2x128xi32, #tpu.memory_space<vmem>>, vector<16xi32>,
      %get3A_127 = arith.constant 1 : i32
      %get3A_128 = arith.index_cast %get3A_127 : i32 to index
      %get3A_129 = arith.constant 32 : index
      %get3A_130 = tpu.vector_load %arg7[%get3A_128, %get3A_129] {strides = array<i32>} : memref<2x128xi32, #tpu.memory_space<vmem>>, vector<16xi32>,
      %gather3A_131 = tpu.vector_load_idx %arg6[%get3A_130] : memref<10000xi32, #tpu.memory_space<vmem>>[vector<16xi32>], vector<16xi32>,
      %swap3A_132 = arith.constant 1 : i32
      %swap3A_133 = arith.index_cast %swap3A_132 : i32 to index
      %swap3A_134 = arith.constant 32 : index
      %swap3A_135 = tpu.vector_load %arg8[%swap3A_133, %swap3A_134] {strides = array<i32>} : memref<2x128xi32, #tpu.memory_space<vmem>>, vector<16xi32>,
      tpu.vector_store %arg8[%swap3A_133, %swap3A_134], %gather3A_131 {strides = array<i32>} : memref<2x128xi32, #tpu.memory_space<vmem>>, vector<16xi32>,
      %get3A_136 = arith.constant 1 : i32
      %get3A_137 = arith.index_cast %get3A_136 : i32 to index
      %get3A_138 = arith.constant 48 : index
      %get3A_139 = tpu.vector_load %arg7[%get3A_137, %get3A_138] {strides = array<i32>} : memref<2x128xi32, #tpu.memory_space<vmem>>, vector<16xi32>,
      %gather3A_140 = tpu.vector_load_idx %arg6[%get3A_139] : memref<10000xi32, #tpu.memory_space<vmem>>[vector<16xi32>], vector<16xi32>,
      %swap3A_141 = arith.constant 1 : i32
      %swap3A_142 = arith.index_cast %swap3A_141 : i32 to index
      %swap3A_143 = arith.constant 48 : index
      %swap3A_144 = tpu.vector_load %arg8[%swap3A_142, %swap3A_143] {strides = array<i32>} : memref<2x128xi32, #tpu.memory_space<vmem>>, vector<16xi32>,
      tpu.vector_store %arg8[%swap3A_142, %swap3A_143], %gather3A_140 {strides = array<i32>} : memref<2x128xi32, #tpu.memory_space<vmem>>, vector<16xi32>,
      %get3A_145 = arith.constant 1 : i32
      %get3A_146 = arith.index_cast %get3A_145 : i32 to index
      %get3A_147 = arith.constant 64 : index
      %get3A_148 = tpu.vector_load %arg7[%get3A_146, %get3A_147] {strides = array<i32>} : memref<2x128xi32, #tpu.memory_space<vmem>>, vector<16xi32>,
      %gather3A_149 = tpu.vector_load_idx %arg6[%get3A_148] : memref<10000xi32, #tpu.memory_space<vmem>>[vector<16xi32>], vector<16xi32>,
      %swap3A_150 = arith.constant 1 : i32
      %swap3A_151 = arith.index_cast %swap3A_150 : i32 to index
      %swap3A_152 = arith.constant 64 : index
      %swap3A_153 = tpu.vector_load %arg8[%swap3A_151, %swap3A_152] {strides = array<i32>} : memref<2x128xi32, #tpu.memory_space<vmem>>, vector<16xi32>,
      tpu.vector_store %arg8[%swap3A_151, %swap3A_152], %gather3A_149 {strides = array<i32>} : memref<2x128xi32, #tpu.memory_space<vmem>>, vector<16xi32>,
      %get3A_154 = arith.constant 1 : i32
      %get3A_155 = arith.index_cast %get3A_154 : i32 to index
      %get3A_156 = arith.constant 80 : index
      %get3A_157 = tpu.vector_load %arg7[%get3A_155, %get3A_156] {strides = array<i32>} : memref<2x128xi32, #tpu.memory_space<vmem>>, vector<16xi32>,
      %gather3A_158 = tpu.vector_load_idx %arg6[%get3A_157] : memref<10000xi32, #tpu.memory_space<vmem>>[vector<16xi32>], vector<16xi32>,
      %swap3A_159 = arith.constant 1 : i32
      %swap3A_160 = arith.index_cast %swap3A_159 : i32 to index
      %swap3A_161 = arith.constant 80 : index
      %swap3A_162 = tpu.vector_load %arg8[%swap3A_160, %swap3A_161] {strides = array<i32>} : memref<2x128xi32, #tpu.memory_space<vmem>>, vector<16xi32>,
      tpu.vector_store %arg8[%swap3A_160, %swap3A_161], %gather3A_158 {strides = array<i32>} : memref<2x128xi32, #tpu.memory_space<vmem>>, vector<16xi32>,
      %get3A_163 = arith.constant 1 : i32
      %get3A_164 = arith.index_cast %get3A_163 : i32 to index
      %get3A_165 = arith.constant 96 : index
      %get3A_166 = tpu.vector_load %arg7[%get3A_164, %get3A_165] {strides = array<i32>} : memref<2x128xi32, #tpu.memory_space<vmem>>, vector<16xi32>,
      %gather3A_167 = tpu.vector_load_idx %arg6[%get3A_166] : memref<10000xi32, #tpu.memory_space<vmem>>[vector<16xi32>], vector<16xi32>,
      %swap3A_168 = arith.constant 1 : i32
      %swap3A_169 = arith.index_cast %swap3A_168 : i32 to index
      %swap3A_170 = arith.constant 96 : index
      %swap3A_171 = tpu.vector_load %arg8[%swap3A_169, %swap3A_170] {strides = array<i32>} : memref<2x128xi32, #tpu.memory_space<vmem>>, vector<16xi32>,
      tpu.vector_store %arg8[%swap3A_169, %swap3A_170], %gather3A_167 {strides = array<i32>} : memref<2x128xi32, #tpu.memory_space<vmem>>, vector<16xi32>,
      %get3A_172 = arith.constant 1 : i32
      %get3A_173 = arith.index_cast %get3A_172 : i32 to index
      %get3A_174 = arith.constant 112 : index
      %get3A_175 = tpu.vector_load %arg7[%get3A_173, %get3A_174] {strides = array<i32>} : memref<2x128xi32, #tpu.memory_space<vmem>>, vector<16xi32>,
      %gather3A_176 = tpu.vector_load_idx %arg6[%get3A_175] : memref<10000xi32, #tpu.memory_space<vmem>>[vector<16xi32>], vector<16xi32>,
      %swap3A_177 = arith.constant 1 : i32
      %swap3A_178 = arith.index_cast %swap3A_177 : i32 to index
      %swap3A_179 = arith.constant 112 : index
      %swap3A_180 = tpu.vector_load %arg8[%swap3A_178, %swap3A_179] {strides = array<i32>} : memref<2x128xi32, #tpu.memory_space<vmem>>, vector<16xi32>,
      tpu.vector_store %arg8[%swap3A_178, %swap3A_179], %gather3A_176 {strides = array<i32>} : memref<2x128xi32, #tpu.memory_space<vmem>>, vector<16xi32>,
      %gt3A = arith.constant 0 : i32
      %gt3A_181 = arith.cmpi sgt, %while3A_28, %gt3A : i32
      %convert_element_type3A = arith.extui %gt3A_181 : i1 to i32
      %cond3A = arith.constant 0 : i32
      %cond3A_182 = arith.cmpi ne, %convert_element_type3A, %cond3A : i32
      scf.if %cond3A_182 {
        %sub3A = arith.constant 2 : i32
        %sub3A_229 = arith.subi %add3A_32, %sub3A : i32
        %mul3A_230 = arith.constant 128 : i32
        %mul3A_231 = arith.muli %sub3A_229, %mul3A_230 : i32
        %dma_wait3A_232 = arith.constant 0 : i32
        %dma_wait3A_233 = tpu.memref_slice %arg5[%mul3A_231, %dma_wait3A_232] : memref<320000x128xf32, #tpu.memory_space<hbm>> -> memref<256x128xf32, #tpu.memory_space<hbm>>
        %dma_wait3A_234 = arith.constant 0 : i32
        %dma_wait3A_235 = tpu.memref_slice %arg5[%mul3A_231, %dma_wait3A_234] : memref<320000x128xf32, #tpu.memory_space<hbm>> -> memref<256x128xf32, #tpu.memory_space<hbm>>
        tpu.wait_dma2 semaphore(%arg13 : memref<!tpu.dma_semaphore, #tpu.memory_space<semaphore_mem>>) src(%arg9 : memref<256x128xf32, #tpu.memory_space<vmem>>) dst(%dma_wait3A_235 : memref<256x128xf32, #tpu.memory_space<hbm>>)
      } else {
      }
      %dma_start3A_183 = arith.constant 0 : i32
      %dma_start3A_184 = arith.constant 0 : i32
      %dma_start3A_185 = arith.constant 0 : i32
      %dma_start3A_186 = tpu.memref_slice %arg9[%dma_start3A_184, %dma_start3A_185] : memref<256x128xf32, #tpu.memory_space<vmem>> -> memref<128x128xf32, #tpu.memory_space<vmem>>
      %dma_start3A_187 = arith.constant 0 : i32
      %dma_start3A_188 = tpu.memref_slice %arg8[%dma_start3A_183, %dma_start3A_187] : memref<2x128xi32, #tpu.memory_space<vmem>> -> memref<1x128xi32, #tpu.memory_space<vmem>>
      %dma_start3A_189 = tpu.memref_squeeze %dma_start3A_188 : memref<1x128xi32, #tpu.memory_space<vmem>> -> memref<128xi32, #tpu.memory_space<vmem>>
      %dma_start3A_190 = arith.constant 0 : i32
      %dma_start3A_191 = arith.constant 0 : i32
      %dma_start3A_192 = tpu.memref_slice %arg2[%dma_start3A_190, %dma_start3A_191] : memref<10000x128xf32, #tpu.memory_space<hbm>> -> memref<10000x128xf32, #tpu.memory_space<hbm>>
      tpu.enqueue_indirect_dma source(%dma_start3A_192 : memref<10000x128xf32, #tpu.memory_space<hbm>>) target(%dma_start3A_186 : memref<128x128xf32, #tpu.memory_space<vmem>>) offsets(%dma_start3A_189 : memref<128xi32, #tpu.memory_space<vmem>>) semaphore(%arg11 : memref<!tpu.dma_semaphore, #tpu.memory_space<semaphore_mem>>)
      %dma_start3A_193 = arith.constant 1 : i32
      %dma_start3A_194 = arith.constant 128 : i32
      %dma_start3A_195 = arith.constant 0 : i32
      %dma_start3A_196 = tpu.memref_slice %arg9[%dma_start3A_194, %dma_start3A_195] : memref<256x128xf32, #tpu.memory_space<vmem>> -> memref<128x128xf32, #tpu.memory_space<vmem>>
      %dma_start3A_197 = arith.constant 0 : i32
      %dma_start3A_198 = tpu.memref_slice %arg8[%dma_start3A_193, %dma_start3A_197] : memref<2x128xi32, #tpu.memory_space<vmem>> -> memref<1x128xi32, #tpu.memory_space<vmem>>
      %dma_start3A_199 = tpu.memref_squeeze %dma_start3A_198 : memref<1x128xi32, #tpu.memory_space<vmem>> -> memref<128xi32, #tpu.memory_space<vmem>>
      %dma_start3A_200 = arith.constant 0 : i32
      %dma_start3A_201 = arith.constant 0 : i32
      %dma_start3A_202 = tpu.memref_slice %arg2[%dma_start3A_200, %dma_start3A_201] : memref<10000x128xf32, #tpu.memory_space<hbm>> -> memref<10000x128xf32, #tpu.memory_space<hbm>>
      tpu.enqueue_indirect_dma source(%dma_start3A_202 : memref<10000x128xf32, #tpu.memory_space<hbm>>) target(%dma_start3A_196 : memref<128x128xf32, #tpu.memory_space<vmem>>) offsets(%dma_start3A_199 : memref<128xi32, #tpu.memory_space<vmem>>) semaphore(%arg12 : memref<!tpu.dma_semaphore, #tpu.memory_space<semaphore_mem>>)
      %dma_wait3A_203 = arith.constant 0 : i32
      %dma_wait3A_204 = arith.constant 0 : i32
      %dma_wait3A_205 = arith.constant 0 : i32
      %dma_wait3A_206 = tpu.memref_slice %arg9[%dma_wait3A_204, %dma_wait3A_205] : memref<256x128xf32, #tpu.memory_space<vmem>> -> memref<128x128xf32, #tpu.memory_space<vmem>>
      %dma_wait3A_207 = arith.constant 0 : i32
      %dma_wait3A_208 = tpu.memref_slice %arg8[%dma_wait3A_203, %dma_wait3A_207] : memref<2x128xi32, #tpu.memory_space<vmem>> -> memref<1x128xi32, #tpu.memory_space<vmem>>
      %dma_wait3A_209 = tpu.memref_squeeze %dma_wait3A_208 : memref<1x128xi32, #tpu.memory_space<vmem>> -> memref<128xi32, #tpu.memory_space<vmem>>
      %dma_wait3A_210 = arith.constant 0 : i32
      %dma_wait3A_211 = arith.constant 0 : i32
      %dma_wait3A_212 = tpu.memref_slice %arg2[%dma_wait3A_210, %dma_wait3A_211] : memref<10000x128xf32, #tpu.memory_space<hbm>> -> memref<10000x128xf32, #tpu.memory_space<hbm>>
      tpu.wait_indirect_dma semaphore(%arg11 : memref<!tpu.dma_semaphore, #tpu.memory_space<semaphore_mem>>) src(%dma_wait3A_212 : memref<10000x128xf32, #tpu.memory_space<hbm>>) dst(%dma_wait3A_206 : memref<128x128xf32, #tpu.memory_space<vmem>>)
      %dma_wait3A_213 = arith.constant 1 : i32
      %dma_wait3A_214 = arith.constant 128 : i32
      %dma_wait3A_215 = arith.constant 0 : i32
      %dma_wait3A_216 = tpu.memref_slice %arg9[%dma_wait3A_214, %dma_wait3A_215] : memref<256x128xf32, #tpu.memory_space<vmem>> -> memref<128x128xf32, #tpu.memory_space<vmem>>
      %dma_wait3A_217 = arith.constant 0 : i32
      %dma_wait3A_218 = tpu.memref_slice %arg8[%dma_wait3A_213, %dma_wait3A_217] : memref<2x128xi32, #tpu.memory_space<vmem>> -> memref<1x128xi32, #tpu.memory_space<vmem>>
      %dma_wait3A_219 = tpu.memref_squeeze %dma_wait3A_218 : memref<1x128xi32, #tpu.memory_space<vmem>> -> memref<128xi32, #tpu.memory_space<vmem>>
      %dma_wait3A_220 = arith.constant 0 : i32
      %dma_wait3A_221 = arith.constant 0 : i32
      %dma_wait3A_222 = tpu.memref_slice %arg2[%dma_wait3A_220, %dma_wait3A_221] : memref<10000x128xf32, #tpu.memory_space<hbm>> -> memref<10000x128xf32, #tpu.memory_space<hbm>>
      tpu.wait_indirect_dma semaphore(%arg12 : memref<!tpu.dma_semaphore, #tpu.memory_space<semaphore_mem>>) src(%dma_wait3A_222 : memref<10000x128xf32, #tpu.memory_space<hbm>>) dst(%dma_wait3A_216 : memref<128x128xf32, #tpu.memory_space<vmem>>)
      %mul3A_223 = arith.constant 128 : i32
      %mul3A_224 = arith.muli %add3A_32, %mul3A_223 : i32
      %dma_start3A_225 = arith.constant 0 : i32
      %dma_start3A_226 = tpu.memref_slice %arg5[%mul3A_224, %dma_start3A_225] : memref<320000x128xf32, #tpu.memory_space<hbm>> -> memref<256x128xf32, #tpu.memory_space<hbm>>
      %dma_start3A_227 = arith.constant 0 : i32
      %dma_start3A_228 = tpu.memref_slice %arg5[%mul3A_224, %dma_start3A_227] : memref<320000x128xf32, #tpu.memory_space<hbm>> -> memref<256x128xf32, #tpu.memory_space<hbm>>
      tpu.enqueue_dma source(%arg9 : memref<256x128xf32, #tpu.memory_space<vmem>>) target(%dma_start3A_228 : memref<256x128xf32, #tpu.memory_space<hbm>>) target_semaphore(%arg13 : memref<!tpu.dma_semaphore, #tpu.memory_space<semaphore_mem>>)
      scf.yield %add3A_32 : i32
    }
    %while3A_21 = arith.constant 1 : i32
    %while3A_22 = scf.for %while3A_28 = %while3A_18 to %while3A_14 step %while3A_21 iter_args(%while3A_29 = %while3A_20) -> (i32)  : i32 {
      %mul3A_30 = arith.constant 2 : i32
      %mul3A_31 = arith.muli %mul3A_30, %while3A_28 : i32
      %add3A_32 = arith.addi %select_n3A, %mul3A_31 : i32
      %dma_start3A = arith.constant 0 : i32
      %dma_start3A_33 = tpu.memref_slice %arg3[%add3A_32, %dma_start3A] : memref<2500x128xi32, #tpu.memory_space<hbm>> -> memref<2x128xi32, #tpu.memory_space<hbm>>
      %dma_start3A_34 = arith.constant 0 : i32
      %dma_start3A_35 = tpu.memref_slice %arg3[%add3A_32, %dma_start3A_34] : memref<2500x128xi32, #tpu.memory_space<hbm>> -> memref<2x128xi32, #tpu.memory_space<hbm>>
      tpu.enqueue_dma source(%dma_start3A_35 : memref<2x128xi32, #tpu.memory_space<hbm>>) target(%arg7 : memref<2x128xi32, #tpu.memory_space<vmem>>) target_semaphore(%arg10 : memref<!tpu.dma_semaphore, #tpu.memory_space<semaphore_mem>>)
      %dma_wait3A_36 = arith.constant 0 : i32
      %dma_wait3A_37 = tpu.memref_slice %arg3[%add3A_32, %dma_wait3A_36] : memref<2500x128xi32, #tpu.memory_space<hbm>> -> memref<2x128xi32, #tpu.memory_space<hbm>>
      %dma_wait3A_38 = arith.constant 0 : i32
      %dma_wait3A_39 = tpu.memref_slice %arg3[%add3A_32, %dma_wait3A_38] : memref<2500x128xi32, #tpu.memory_space<hbm>> -> memref<2x128xi32, #tpu.memory_space<hbm>>
      tpu.wait_dma2 semaphore(%arg10 : memref<!tpu.dma_semaphore, #tpu.memory_space<semaphore_mem>>) src(%dma_wait3A_39 : memref<2x128xi32, #tpu.memory_space<hbm>>) dst(%arg7 : memref<2x128xi32, #tpu.memory_space<vmem>>)
      %get3A = arith.constant 0 : i32
      %get3A_40 = arith.index_cast %get3A : i32 to index
      %get3A_41 = arith.constant 0 : index
      %get3A_42 = tpu.vector_load %arg7[%get3A_40, %get3A_41] {strides = array<i32>} : memref<2x128xi32, #tpu.memory_space<vmem>>, vector<16xi32>,
      %gather3A = tpu.vector_load_idx %arg6[%get3A_42] : memref<10000xi32, #tpu.memory_space<vmem>>[vector<16xi32>], vector<16xi32>,
      %swap3A = arith.constant 0 : i32
      %swap3A_43 = arith.index_cast %swap3A : i32 to index
      %swap3A_44 = arith.constant 0 : index
      %swap3A_45 = tpu.vector_load %arg8[%swap3A_43, %swap3A_44] {strides = array<i32>} : memref<2x128xi32, #tpu.memory_space<vmem>>, vector<16xi32>,
      tpu.vector_store %arg8[%swap3A_43, %swap3A_44], %gather3A {strides = array<i32>} : memref<2x128xi32, #tpu.memory_space<vmem>>, vector<16xi32>,
      %get3A_46 = arith.constant 0 : i32
      %get3A_47 = arith.index_cast %get3A_46 : i32 to index
      %get3A_48 = arith.constant 16 : index
      %get3A_49 = tpu.vector_load %arg7[%get3A_47, %get3A_48] {strides = array<i32>} : memref<2x128xi32, #tpu.memory_space<vmem>>, vector<16xi32>,
      %gather3A_50 = tpu.vector_load_idx %arg6[%get3A_49] : memref<10000xi32, #tpu.memory_space<vmem>>[vector<16xi32>], vector<16xi32>,
      %swap3A_51 = arith.constant 0 : i32
      %swap3A_52 = arith.index_cast %swap3A_51 : i32 to index
      %swap3A_53 = arith.constant 16 : index
      %swap3A_54 = tpu.vector_load %arg8[%swap3A_52, %swap3A_53] {strides = array<i32>} : memref<2x128xi32, #tpu.memory_space<vmem>>, vector<16xi32>,
      tpu.vector_store %arg8[%swap3A_52, %swap3A_53], %gather3A_50 {strides = array<i32>} : memref<2x128xi32, #tpu.memory_space<vmem>>, vector<16xi32>,
      %get3A_55 = arith.constant 0 : i32
      %get3A_56 = arith.index_cast %get3A_55 : i32 to index
      %get3A_57 = arith.constant 32 : index
      %get3A_58 = tpu.vector_load %arg7[%get3A_56, %get3A_57] {strides = array<i32>} : memref<2x128xi32, #tpu.memory_space<vmem>>, vector<16xi32>,
      %gather3A_59 = tpu.vector_load_idx %arg6[%get3A_58] : memref<10000xi32, #tpu.memory_space<vmem>>[vector<16xi32>], vector<16xi32>,
      %swap3A_60 = arith.constant 0 : i32
      %swap3A_61 = arith.index_cast %swap3A_60 : i32 to index
      %swap3A_62 = arith.constant 32 : index
      %swap3A_63 = tpu.vector_load %arg8[%swap3A_61, %swap3A_62] {strides = array<i32>} : memref<2x128xi32, #tpu.memory_space<vmem>>, vector<16xi32>,
      tpu.vector_store %arg8[%swap3A_61, %swap3A_62], %gather3A_59 {strides = array<i32>} : memref<2x128xi32, #tpu.memory_space<vmem>>, vector<16xi32>,
      %get3A_64 = arith.constant 0 : i32
      %get3A_65 = arith.index_cast %get3A_64 : i32 to index
      %get3A_66 = arith.constant 48 : index
      %get3A_67 = tpu.vector_load %arg7[%get3A_65, %get3A_66] {strides = array<i32>} : memref<2x128xi32, #tpu.memory_space<vmem>>, vector<16xi32>,
      %gather3A_68 = tpu.vector_load_idx %arg6[%get3A_67] : memref<10000xi32, #tpu.memory_space<vmem>>[vector<16xi32>], vector<16xi32>,
      %swap3A_69 = arith.constant 0 : i32
      %swap3A_70 = arith.index_cast %swap3A_69 : i32 to index
      %swap3A_71 = arith.constant 48 : index
      %swap3A_72 = tpu.vector_load %arg8[%swap3A_70, %swap3A_71] {strides = array<i32>} : memref<2x128xi32, #tpu.memory_space<vmem>>, vector<16xi32>,
      tpu.vector_store %arg8[%swap3A_70, %swap3A_71], %gather3A_68 {strides = array<i32>} : memref<2x128xi32, #tpu.memory_space<vmem>>, vector<16xi32>,
      %get3A_73 = arith.constant 0 : i32
      %get3A_74 = arith.index_cast %get3A_73 : i32 to index
      %get3A_75 = arith.constant 64 : index
      %get3A_76 = tpu.vector_load %arg7[%get3A_74, %get3A_75] {strides = array<i32>} : memref<2x128xi32, #tpu.memory_space<vmem>>, vector<16xi32>,
      %gather3A_77 = tpu.vector_load_idx %arg6[%get3A_76] : memref<10000xi32, #tpu.memory_space<vmem>>[vector<16xi32>], vector<16xi32>,
      %swap3A_78 = arith.constant 0 : i32
      %swap3A_79 = arith.index_cast %swap3A_78 : i32 to index
      %swap3A_80 = arith.constant 64 : index
      %swap3A_81 = tpu.vector_load %arg8[%swap3A_79, %swap3A_80] {strides = array<i32>} : memref<2x128xi32, #tpu.memory_space<vmem>>, vector<16xi32>,
      tpu.vector_store %arg8[%swap3A_79, %swap3A_80], %gather3A_77 {strides = array<i32>} : memref<2x128xi32, #tpu.memory_space<vmem>>, vector<16xi32>,
      %get3A_82 = arith.constant 0 : i32
      %get3A_83 = arith.index_cast %get3A_82 : i32 to index
      %get3A_84 = arith.constant 80 : index
      %get3A_85 = tpu.vector_load %arg7[%get3A_83, %get3A_84] {strides = array<i32>} : memref<2x128xi32, #tpu.memory_space<vmem>>, vector<16xi32>,
      %gather3A_86 = tpu.vector_load_idx %arg6[%get3A_85] : memref<10000xi32, #tpu.memory_space<vmem>>[vector<16xi32>], vector<16xi32>,
      %swap3A_87 = arith.constant 0 : i32
      %swap3A_88 = arith.index_cast %swap3A_87 : i32 to index
      %swap3A_89 = arith.constant 80 : index
      %swap3A_90 = tpu.vector_load %arg8[%swap3A_88, %swap3A_89] {strides = array<i32>} : memref<2x128xi32, #tpu.memory_space<vmem>>, vector<16xi32>,
      tpu.vector_store %arg8[%swap3A_88, %swap3A_89], %gather3A_86 {strides = array<i32>} : memref<2x128xi32, #tpu.memory_space<vmem>>, vector<16xi32>,
      %get3A_91 = arith.constant 0 : i32
      %get3A_92 = arith.index_cast %get3A_91 : i32 to index
      %get3A_93 = arith.constant 96 : index
      %get3A_94 = tpu.vector_load %arg7[%get3A_92, %get3A_93] {strides = array<i32>} : memref<2x128xi32, #tpu.memory_space<vmem>>, vector<16xi32>,
      %gather3A_95 = tpu.vector_load_idx %arg6[%get3A_94] : memref<10000xi32, #tpu.memory_space<vmem>>[vector<16xi32>], vector<16xi32>,
      %swap3A_96 = arith.constant 0 : i32
      %swap3A_97 = arith.index_cast %swap3A_96 : i32 to index
      %swap3A_98 = arith.constant 96 : index
      %swap3A_99 = tpu.vector_load %arg8[%swap3A_97, %swap3A_98] {strides = array<i32>} : memref<2x128xi32, #tpu.memory_space<vmem>>, vector<16xi32>,
      tpu.vector_store %arg8[%swap3A_97, %swap3A_98], %gather3A_95 {strides = array<i32>} : memref<2x128xi32, #tpu.memory_space<vmem>>, vector<16xi32>,
      %get3A_100 = arith.constant 0 : i32
      %get3A_101 = arith.index_cast %get3A_100 : i32 to index
      %get3A_102 = arith.constant 112 : index
      %get3A_103 = tpu.vector_load %arg7[%get3A_101, %get3A_102] {strides = array<i32>} : memref<2x128xi32, #tpu.memory_space<vmem>>, vector<16xi32>,
      %gather3A_104 = tpu.vector_load_idx %arg6[%get3A_103] : memref<10000xi32, #tpu.memory_space<vmem>>[vector<16xi32>], vector<16xi32>,
      %swap3A_105 = arith.constant 0 : i32
      %swap3A_106 = arith.index_cast %swap3A_105 : i32 to index
      %swap3A_107 = arith.constant 112 : index
      %swap3A_108 = tpu.vector_load %arg8[%swap3A_106, %swap3A_107] {strides = array<i32>} : memref<2x128xi32, #tpu.memory_space<vmem>>, vector<16xi32>,
      tpu.vector_store %arg8[%swap3A_106, %swap3A_107], %gather3A_104 {strides = array<i32>} : memref<2x128xi32, #tpu.memory_space<vmem>>, vector<16xi32>,
      %get3A_109 = arith.constant 1 : i32
      %get3A_110 = arith.index_cast %get3A_109 : i32 to index
      %get3A_111 = arith.constant 0 : index
      %get3A_112 = tpu.vector_load %arg7[%get3A_110, %get3A_111] {strides = array<i32>} : memref<2x128xi32, #tpu.memory_space<vmem>>, vector<16xi32>,
      %gather3A_113 = tpu.vector_load_idx %arg6[%get3A_112] : memref<10000xi32, #tpu.memory_space<vmem>>[vector<16xi32>], vector<16xi32>,
      %swap3A_114 = arith.constant 1 : i32
      %swap3A_115 = arith.index_cast %swap3A_114 : i32 to index
      %swap3A_116 = arith.constant 0 : index
      %swap3A_117 = tpu.vector_load %arg8[%swap3A_115, %swap3A_116] {strides = array<i32>} : memref<2x128xi32, #tpu.memory_space<vmem>>, vector<16xi32>,
      tpu.vector_store %arg8[%swap3A_115, %swap3A_116], %gather3A_113 {strides = array<i32>} : memref<2x128xi32, #tpu.memory_space<vmem>>, vector<16xi32>,
      %get3A_118 = arith.constant 1 : i32
      %get3A_119 = arith.index_cast %get3A_118 : i32 to index
      %get3A_120 = arith.constant 16 : index
      %get3A_121 = tpu.vector_load %arg7[%get3A_119, %get3A_120] {strides = array<i32>} : memref<2x128xi32, #tpu.memory_space<vmem>>, vector<16xi32>,
      %gather3A_122 = tpu.vector_load_idx %arg6[%get3A_121] : memref<10000xi32, #tpu.memory_space<vmem>>[vector<16xi32>], vector<16xi32>,
      %swap3A_123 = arith.constant 1 : i32
      %swap3A_124 = arith.index_cast %swap3A_123 : i32 to index
      %swap3A_125 = arith.constant 16 : index
      %swap3A_126 = tpu.vector_load %arg8[%swap3A_124, %swap3A_125] {strides = array<i32>} : memref<2x128xi32, #tpu.memory_space<vmem>>, vector<16xi32>,
      tpu.vector_store %arg8[%swap3A_124, %swap3A_125], %gather3A_122 {strides = array<i32>} : memref<2x128xi32, #tpu.memory_space<vmem>>, vector<16xi32>,
      %get3A_127 = arith.constant 1 : i32
      %get3A_128 = arith.index_cast %get3A_127 : i32 to index
      %get3A_129 = arith.constant 32 : index
      %get3A_130 = tpu.vector_load %arg7[%get3A_128, %get3A_129] {strides = array<i32>} : memref<2x128xi32, #tpu.memory_space<vmem>>, vector<16xi32>,
      %gather3A_131 = tpu.vector_load_idx %arg6[%get3A_130] : memref<10000xi32, #tpu.memory_space<vmem>>[vector<16xi32>], vector<16xi32>,
      %swap3A_132 = arith.constant 1 : i32
      %swap3A_133 = arith.index_cast %swap3A_132 : i32 to index
      %swap3A_134 = arith.constant 32 : index
      %swap3A_135 = tpu.vector_load %arg8[%swap3A_133, %swap3A_134] {strides = array<i32>} : memref<2x128xi32, #tpu.memory_space<vmem>>, vector<16xi32>,
      tpu.vector_store %arg8[%swap3A_133, %swap3A_134], %gather3A_131 {strides = array<i32>} : memref<2x128xi32, #tpu.memory_space<vmem>>, vector<16xi32>,
      %get3A_136 = arith.constant 1 : i32
      %get3A_137 = arith.index_cast %get3A_136 : i32 to index
      %get3A_138 = arith.constant 48 : index
      %get3A_139 = tpu.vector_load %arg7[%get3A_137, %get3A_138] {strides = array<i32>} : memref<2x128xi32, #tpu.memory_space<vmem>>, vector<16xi32>,
      %gather3A_140 = tpu.vector_load_idx %arg6[%get3A_139] : memref<10000xi32, #tpu.memory_space<vmem>>[vector<16xi32>], vector<16xi32>,
      %swap3A_141 = arith.constant 1 : i32
      %swap3A_142 = arith.index_cast %swap3A_141 : i32 to index
      %swap3A_143 = arith.constant 48 : index
      %swap3A_144 = tpu.vector_load %arg8[%swap3A_142, %swap3A_143] {strides = array<i32>} : memref<2x128xi32, #tpu.memory_space<vmem>>, vector<16xi32>,
      tpu.vector_store %arg8[%swap3A_142, %swap3A_143], %gather3A_140 {strides = array<i32>} : memref<2x128xi32, #tpu.memory_space<vmem>>, vector<16xi32>,
      %get3A_145 = arith.constant 1 : i32
      %get3A_146 = arith.index_cast %get3A_145 : i32 to index
      %get3A_147 = arith.constant 64 : index
      %get3A_148 = tpu.vector_load %arg7[%get3A_146, %get3A_147] {strides = array<i32>} : memref<2x128xi32, #tpu.memory_space<vmem>>, vector<16xi32>,
      %gather3A_149 = tpu.vector_load_idx %arg6[%get3A_148] : memref<10000xi32, #tpu.memory_space<vmem>>[vector<16xi32>], vector<16xi32>,
      %swap3A_150 = arith.constant 1 : i32
      %swap3A_151 = arith.index_cast %swap3A_150 : i32 to index
      %swap3A_152 = arith.constant 64 : index
      %swap3A_153 = tpu.vector_load %arg8[%swap3A_151, %swap3A_152] {strides = array<i32>} : memref<2x128xi32, #tpu.memory_space<vmem>>, vector<16xi32>,
      tpu.vector_store %arg8[%swap3A_151, %swap3A_152], %gather3A_149 {strides = array<i32>} : memref<2x128xi32, #tpu.memory_space<vmem>>, vector<16xi32>,
      %get3A_154 = arith.constant 1 : i32
      %get3A_155 = arith.index_cast %get3A_154 : i32 to index
      %get3A_156 = arith.constant 80 : index
      %get3A_157 = tpu.vector_load %arg7[%get3A_155, %get3A_156] {strides = array<i32>} : memref<2x128xi32, #tpu.memory_space<vmem>>, vector<16xi32>,
      %gather3A_158 = tpu.vector_load_idx %arg6[%get3A_157] : memref<10000xi32, #tpu.memory_space<vmem>>[vector<16xi32>], vector<16xi32>,
      %swap3A_159 = arith.constant 1 : i32
      %swap3A_160 = arith.index_cast %swap3A_159 : i32 to index
      %swap3A_161 = arith.constant 80 : index
      %swap3A_162 = tpu.vector_load %arg8[%swap3A_160, %swap3A_161] {strides = array<i32>} : memref<2x128xi32, #tpu.memory_space<vmem>>, vector<16xi32>,
      tpu.vector_store %arg8[%swap3A_160, %swap3A_161], %gather3A_158 {strides = array<i32>} : memref<2x128xi32, #tpu.memory_space<vmem>>, vector<16xi32>,
      %get3A_163 = arith.constant 1 : i32
      %get3A_164 = arith.index_cast %get3A_163 : i32 to index
      %get3A_165 = arith.constant 96 : index
      %get3A_166 = tpu.vector_load %arg7[%get3A_164, %get3A_165] {strides = array<i32>} : memref<2x128xi32, #tpu.memory_space<vmem>>, vector<16xi32>,
      %gather3A_167 = tpu.vector_load_idx %arg6[%get3A_166] : memref<10000xi32, #tpu.memory_space<vmem>>[vector<16xi32>], vector<16xi32>,
      %swap3A_168 = arith.constant 1 : i32
      %swap3A_169 = arith.index_cast %swap3A_168 : i32 to index
      %swap3A_170 = arith.constant 96 : index
      %swap3A_171 = tpu.vector_load %arg8[%swap3A_169, %swap3A_170] {strides = array<i32>} : memref<2x128xi32, #tpu.memory_space<vmem>>, vector<16xi32>,
      tpu.vector_store %arg8[%swap3A_169, %swap3A_170], %gather3A_167 {strides = array<i32>} : memref<2x128xi32, #tpu.memory_space<vmem>>, vector<16xi32>,
      %get3A_172 = arith.constant 1 : i32
      %get3A_173 = arith.index_cast %get3A_172 : i32 to index
      %get3A_174 = arith.constant 112 : index
      %get3A_175 = tpu.vector_load %arg7[%get3A_173, %get3A_174] {strides = array<i32>} : memref<2x128xi32, #tpu.memory_space<vmem>>, vector<16xi32>,
      %gather3A_176 = tpu.vector_load_idx %arg6[%get3A_175] : memref<10000xi32, #tpu.memory_space<vmem>>[vector<16xi32>], vector<16xi32>,
      %swap3A_177 = arith.constant 1 : i32
      %swap3A_178 = arith.index_cast %swap3A_177 : i32 to index
      %swap3A_179 = arith.constant 112 : index
      %swap3A_180 = tpu.vector_load %arg8[%swap3A_178, %swap3A_179] {strides = array<i32>} : memref<2x128xi32, #tpu.memory_space<vmem>>, vector<16xi32>,
      tpu.vector_store %arg8[%swap3A_178, %swap3A_179], %gather3A_176 {strides = array<i32>} : memref<2x128xi32, #tpu.memory_space<vmem>>, vector<16xi32>,
      %gt3A = arith.constant 0 : i32
      %gt3A_181 = arith.cmpi sgt, %while3A_28, %gt3A : i32
      %convert_element_type3A = arith.extui %gt3A_181 : i1 to i32
      %cond3A = arith.constant 0 : i32
      %cond3A_182 = arith.cmpi ne, %convert_element_type3A, %cond3A : i32
      scf.if %cond3A_182 {
        %sub3A = arith.constant 2 : i32
        %sub3A_229 = arith.subi %add3A_32, %sub3A : i32
        %mul3A_230 = arith.constant 128 : i32
        %mul3A_231 = arith.muli %sub3A_229, %mul3A_230 : i32
        %dma_wait3A_232 = arith.constant 0 : i32
        %dma_wait3A_233 = tpu.memref_slice %arg5[%mul3A_231, %dma_wait3A_232] : memref<320000x128xf32, #tpu.memory_space<hbm>> -> memref<256x128xf32, #tpu.memory_space<hbm>>
        %dma_wait3A_234 = arith.constant 0 : i32
        %dma_wait3A_235 = tpu.memref_slice %arg5[%mul3A_231, %dma_wait3A_234] : memref<320000x128xf32, #tpu.memory_space<hbm>> -> memref<256x128xf32, #tpu.memory_space<hbm>>
        tpu.wait_dma2 semaphore(%arg13 : memref<!tpu.dma_semaphore, #tpu.memory_space<semaphore_mem>>) src(%arg9 : memref<256x128xf32, #tpu.memory_space<vmem>>) dst(%dma_wait3A_235 : memref<256x128xf32, #tpu.memory_space<hbm>>)
      } else {
      }
      %dma_start3A_183 = arith.constant 0 : i32
      %dma_start3A_184 = arith.constant 0 : i32
      %dma_start3A_185 = arith.constant 0 : i32
      %dma_start3A_186 = tpu.memref_slice %arg9[%dma_start3A_184, %dma_start3A_185] : memref<256x128xf32, #tpu.memory_space<vmem>> -> memref<128x128xf32, #tpu.memory_space<vmem>>
      %dma_start3A_187 = arith.constant 0 : i32
      %dma_start3A_188 = tpu.memref_slice %arg8[%dma_start3A_183, %dma_start3A_187] : memref<2x128xi32, #tpu.memory_space<vmem>> -> memref<1x128xi32, #tpu.memory_space<vmem>>
      %dma_start3A_189 = tpu.memref_squeeze %dma_start3A_188 : memref<1x128xi32, #tpu.memory_space<vmem>> -> memref<128xi32, #tpu.memory_space<vmem>>
      %dma_start3A_190 = arith.constant 0 : i32
      %dma_start3A_191 = arith.constant 0 : i32
      %dma_start3A_192 = tpu.memref_slice %arg2[%dma_start3A_190, %dma_start3A_191] : memref<10000x128xf32, #tpu.memory_space<hbm>> -> memref<10000x128xf32, #tpu.memory_space<hbm>>
      tpu.enqueue_indirect_dma source(%dma_start3A_192 : memref<10000x128xf32, #tpu.memory_space<hbm>>) target(%dma_start3A_186 : memref<128x128xf32, #tpu.memory_space<vmem>>) offsets(%dma_start3A_189 : memref<128xi32, #tpu.memory_space<vmem>>) semaphore(%arg11 : memref<!tpu.dma_semaphore, #tpu.memory_space<semaphore_mem>>)
      %dma_start3A_193 = arith.constant 1 : i32
      %dma_start3A_194 = arith.constant 128 : i32
      %dma_start3A_195 = arith.constant 0 : i32
      %dma_start3A_196 = tpu.memref_slice %arg9[%dma_start3A_194, %dma_start3A_195] : memref<256x128xf32, #tpu.memory_space<vmem>> -> memref<128x128xf32, #tpu.memory_space<vmem>>
      %dma_start3A_197 = arith.constant 0 : i32
      %dma_start3A_198 = tpu.memref_slice %arg8[%dma_start3A_193, %dma_start3A_197] : memref<2x128xi32, #tpu.memory_space<vmem>> -> memref<1x128xi32, #tpu.memory_space<vmem>>
      %dma_start3A_199 = tpu.memref_squeeze %dma_start3A_198 : memref<1x128xi32, #tpu.memory_space<vmem>> -> memref<128xi32, #tpu.memory_space<vmem>>
      %dma_start3A_200 = arith.constant 0 : i32
      %dma_start3A_201 = arith.constant 0 : i32
      %dma_start3A_202 = tpu.memref_slice %arg2[%dma_start3A_200, %dma_start3A_201] : memref<10000x128xf32, #tpu.memory_space<hbm>> -> memref<10000x128xf32, #tpu.memory_space<hbm>>
      tpu.enqueue_indirect_dma source(%dma_start3A_202 : memref<10000x128xf32, #tpu.memory_space<hbm>>) target(%dma_start3A_196 : memref<128x128xf32, #tpu.memory_space<vmem>>) offsets(%dma_start3A_199 : memref<128xi32, #tpu.memory_space<vmem>>) semaphore(%arg12 : memref<!tpu.dma_semaphore, #tpu.memory_space<semaphore_mem>>)
      %dma_wait3A_203 = arith.constant 0 : i32
      %dma_wait3A_204 = arith.constant 0 : i32
      %dma_wait3A_205 = arith.constant 0 : i32
      %dma_wait3A_206 = tpu.memref_slice %arg9[%dma_wait3A_204, %dma_wait3A_205] : memref<256x128xf32, #tpu.memory_space<vmem>> -> memref<128x128xf32, #tpu.memory_space<vmem>>
      %dma_wait3A_207 = arith.constant 0 : i32
      %dma_wait3A_208 = tpu.memref_slice %arg8[%dma_wait3A_203, %dma_wait3A_207] : memref<2x128xi32, #tpu.memory_space<vmem>> -> memref<1x128xi32, #tpu.memory_space<vmem>>
      %dma_wait3A_209 = tpu.memref_squeeze %dma_wait3A_208 : memref<1x128xi32, #tpu.memory_space<vmem>> -> memref<128xi32, #tpu.memory_space<vmem>>
      %dma_wait3A_210 = arith.constant 0 : i32
      %dma_wait3A_211 = arith.constant 0 : i32
      %dma_wait3A_212 = tpu.memref_slice %arg2[%dma_wait3A_210, %dma_wait3A_211] : memref<10000x128xf32, #tpu.memory_space<hbm>> -> memref<10000x128xf32, #tpu.memory_space<hbm>>
      tpu.wait_indirect_dma semaphore(%arg11 : memref<!tpu.dma_semaphore, #tpu.memory_space<semaphore_mem>>) src(%dma_wait3A_212 : memref<10000x128xf32, #tpu.memory_space<hbm>>) dst(%dma_wait3A_206 : memref<128x128xf32, #tpu.memory_space<vmem>>)
      %dma_wait3A_213 = arith.constant 1 : i32
      %dma_wait3A_214 = arith.constant 128 : i32
      %dma_wait3A_215 = arith.constant 0 : i32
      %dma_wait3A_216 = tpu.memref_slice %arg9[%dma_wait3A_214, %dma_wait3A_215] : memref<256x128xf32, #tpu.memory_space<vmem>> -> memref<128x128xf32, #tpu.memory_space<vmem>>
      %dma_wait3A_217 = arith.constant 0 : i32
      %dma_wait3A_218 = tpu.memref_slice %arg8[%dma_wait3A_213, %dma_wait3A_217] : memref<2x128xi32, #tpu.memory_space<vmem>> -> memref<1x128xi32, #tpu.memory_space<vmem>>
      %dma_wait3A_219 = tpu.memref_squeeze %dma_wait3A_218 : memref<1x128xi32, #tpu.memory_space<vmem>> -> memref<128xi32, #tpu.memory_space<vmem>>
      %dma_wait3A_220 = arith.constant 0 : i32
      %dma_wait3A_221 = arith.constant 0 : i32
      %dma_wait3A_222 = tpu.memref_slice %arg2[%dma_wait3A_220, %dma_wait3A_221] : memref<10000x128xf32, #tpu.memory_space<hbm>> -> memref<10000x128xf32, #tpu.memory_space<hbm>>
      tpu.wait_indirect_dma semaphore(%arg12 : memref<!tpu.dma_semaphore, #tpu.memory_space<semaphore_mem>>) src(%dma_wait3A_222 : memref<10000x128xf32, #tpu.memory_space<hbm>>) dst(%dma_wait3A_216 : memref<128x128xf32, #tpu.memory_space<vmem>>)
      %mul3A_223 = arith.constant 128 : i32
      %mul3A_224 = arith.muli %add3A_32, %mul3A_223 : i32
      %dma_start3A_225 = arith.constant 0 : i32
      %dma_start3A_226 = tpu.memref_slice %arg5[%mul3A_224, %dma_start3A_225] : memref<320000x128xf32, #tpu.memory_space<hbm>> -> memref<256x128xf32, #tpu.memory_space<hbm>>
      %dma_start3A_227 = arith.constant 0 : i32
      %dma_start3A_228 = tpu.memref_slice %arg5[%mul3A_224, %dma_start3A_227] : memref<320000x128xf32, #tpu.memory_space<hbm>> -> memref<256x128xf32, #tpu.memory_space<hbm>>
      tpu.enqueue_dma source(%arg9 : memref<256x128xf32, #tpu.memory_space<vmem>>) target(%dma_start3A_228 : memref<256x128xf32, #tpu.memory_space<hbm>>) target_semaphore(%arg13 : memref<!tpu.dma_semaphore, #tpu.memory_space<semaphore_mem>>)
      scf.yield %add3A_32 : i32
    }
    %mul3A_23 = arith.constant 128 : i32
    %mul3A_24 = arith.muli %while3A_22, %mul3A_23 : i32
    %dma_wait3A = arith.constant 0 : i32
    %dma_wait3A_25 = tpu.memref_slice %arg5[%mul3A_24, %dma_wait3A] : memref<320000x128xf32, #tpu.memory_space<hbm>> -> memref<256x128xf32, #tpu.memory_space<hbm>>
    %dma_wait3A_26 = arith.constant 0 : i32
    %dma_wait3A_27 = tpu.memref_slice %arg5[%mul3A_24, %dma_wait3A_26] : memref<320000x128xf32, #tpu.memory_space<hbm>> -> memref<256x128xf32, #tpu.memory_space<hbm>>
    tpu.wait_dma2 semaphore(%arg13 : memref<!tpu.dma_semaphore, #tpu.memory_space<semaphore_mem>>) src(%arg9 : memref<256x128xf32, #tpu.memory_space<vmem>>) dst(%dma_wait3A_27 : memref<256x128xf32, #tpu.memory_space<hbm>>)
    return
  }
}

module attributes {stable_mosaic.version = 14 : i64} {
  func.func @_qfull_body(%arg0: i32, %arg1: memref<2000x128xf32, #tpu.memory_space<vmem>>, %arg2: memref<1x128xf32, #tpu.memory_space<vmem>>, %arg3: memref<128x128xf32, #tpu.memory_space<vmem>>, %arg4: memref<128x128xf32, #tpu.memory_space<vmem>>, %arg5: memref<1x128xf32, #tpu.memory_space<vmem>>, %arg6: memref<2000x128xf32, #tpu.memory_space<vmem>>) attributes {dimension_semantics = [#tpu.dimension_semantics<arbitrary>], iteration_bounds = array<i64: 5>, scalar_prefetch = 0 : i64, scratch_operands = 0 : i64, tpu.core_type = #tpu.core_type<tc>, window_params = [{transform_indices = @transform_0, window_bounds = array<i64: 2000, 128>}, {pipeline_mode = #tpu.pipeline_mode<synchronous>, transform_indices = @transform_1, window_bounds = array<i64: 1, 128>}, {pipeline_mode = #tpu.pipeline_mode<synchronous>, transform_indices = @transform_2, window_bounds = array<i64: 128, 128>}, {pipeline_mode = #tpu.pipeline_mode<synchronous>, transform_indices = @transform_3, window_bounds = array<i64: 128, 128>}, {pipeline_mode = #tpu.pipeline_mode<synchronous>, transform_indices = @transform_4, window_bounds = array<i64: 1, 128>}, {transform_indices = @transform_5, window_bounds = array<i64: 2000, 128>}]} {
    %get3A = arith.constant 0 : index
    %get3A_0 = arith.constant 0 : index
    %get3A_1 = vector.load %arg2[%get3A, %get3A_0] : memref<1x128xf32, #tpu.memory_space<vmem>>, vector<1x128xf32>
    %cos3A = math.cos %get3A_1 : vector<1x128xf32>
    %get3A_2 = arith.constant 0 : index
    %get3A_3 = arith.constant 0 : index
    %get3A_4 = vector.load %arg4[%get3A_2, %get3A_3] : memref<128x128xf32, #tpu.memory_space<vmem>>, vector<128x128xf32>
    %dot_general3A = arith.constant dense<0.000000e+00> : vector<1x128xf32>
    %dot_general3A_5 = tpu.matmul %cos3A, %get3A_4, %dot_general3A {dimension_numbers = #tpu.dot_dimension_numbers<[1], [0], [0], [1], [0, 0, 1, 1], [], []>, transpose_lhs_hint = false} : vector<1x128xf32>, vector<128x128xf32>, vector<1x128xf32> -> vector<1x128xf32>
    %get3A_6 = arith.constant 0 : index
    %get3A_7 = arith.constant 0 : index
    %get3A_8 = vector.load %arg1[%get3A_6, %get3A_7] : memref<2000x128xf32, #tpu.memory_space<vmem>>, vector<2000x128xf32>
    %get3A_9 = arith.constant 0 : index
    %get3A_10 = arith.constant 0 : index
    %get3A_11 = vector.load %arg3[%get3A_9, %get3A_10] : memref<128x128xf32, #tpu.memory_space<vmem>>, vector<128x128xf32>
    %dot_general3A_12 = arith.constant dense<0.000000e+00> : vector<2000x128xf32>
    %dot_general3A_13 = tpu.matmul %get3A_8, %get3A_11, %dot_general3A_12 {dimension_numbers = #tpu.dot_dimension_numbers<[1], [0], [0], [1], [0, 0, 1, 1], [], []>, transpose_lhs_hint = false} : vector<2000x128xf32>, vector<128x128xf32>, vector<2000x128xf32> -> vector<2000x128xf32>
    %add3A = vector.broadcast %dot_general3A_5 : vector<1x128xf32> to vector<2000x128xf32>
    %add3A_14 = arith.addf %dot_general3A_13, %add3A : vector<2000x128xf32>
    %get3A_15 = arith.constant 0 : index
    %get3A_16 = arith.constant 0 : index
    %get3A_17 = vector.load %arg5[%get3A_15, %get3A_16] : memref<1x128xf32, #tpu.memory_space<vmem>>, vector<1x128xf32>
    %add3A_18 = vector.broadcast %get3A_17 : vector<1x128xf32> to vector<2000x128xf32>
    %add3A_19 = arith.addf %add3A_14, %add3A_18 : vector<2000x128xf32>
    %swap3A = arith.constant 0 : index
    %swap3A_20 = arith.constant 0 : index
    %swap3A_21 = vector.load %arg6[%swap3A, %swap3A_20] : memref<2000x128xf32, #tpu.memory_space<vmem>>, vector<2000x128xf32>
    tpu.vector_store %arg6[%swap3A, %swap3A_20], %add3A_19 {strides = array<i32>} : memref<2000x128xf32, #tpu.memory_space<vmem>>, vector<2000x128xf32>,
    return
  }
  func.func @transform_0(%arg0: i32) -> (i32, i32) {
    %c0_i32 = arith.constant 0 : i32
    %c0_i32_0 = arith.constant 0 : i32
    return %arg0, %c0_i32 : i32, i32
  }
  func.func @transform_1(%arg0: i32) -> (i32, i32) {
    %c0_i32 = arith.constant 0 : i32
    %c0_i32_0 = arith.constant 0 : i32
    %c0_i32_1 = arith.constant 0 : i32
    return %c0_i32, %c0_i32_0 : i32, i32
  }
  func.func @transform_2(%arg0: i32) -> (i32, i32) {
    %c0_i32 = arith.constant 0 : i32
    %c0_i32_0 = arith.constant 0 : i32
    %c0_i32_1 = arith.constant 0 : i32
    return %c0_i32, %c0_i32_0 : i32, i32
  }
  func.func @transform_3(%arg0: i32) -> (i32, i32) {
    %c0_i32 = arith.constant 0 : i32
    %c0_i32_0 = arith.constant 0 : i32
    %c0_i32_1 = arith.constant 0 : i32
    return %c0_i32, %c0_i32_0 : i32, i32
  }
  func.func @transform_4(%arg0: i32) -> (i32, i32) {
    %c0_i32 = arith.constant 0 : i32
    %c0_i32_0 = arith.constant 0 : i32
    %c0_i32_1 = arith.constant 0 : i32
    return %c0_i32, %c0_i32_0 : i32, i32
  }
  func.func @transform_5(%arg0: i32) -> (i32, i32) {
    %c0_i32 = arith.constant 0 : i32
    %c0_i32_0 = arith.constant 0 : i32
    return %arg0, %c0_i32 : i32, i32
  }
}

module attributes {stable_mosaic.version = 14 : i64} {
  func.func @_edge_body(%arg0: i32, %arg1: memref<2000x128xf32, #tpu.memory_space<vmem>>, %arg2: memref<2000x16xf32, #tpu.memory_space<vmem>>, %arg3: memref<2000x1xf32, #tpu.memory_space<vmem>>, %arg4: memref<2000x128xf32, #tpu.memory_space<vmem>>, %arg5: memref<1x128xf32, #tpu.memory_space<vmem>>, %arg6: memref<1x128xf32, #tpu.memory_space<vmem>>, %arg7: memref<128x128xf32, #tpu.memory_space<vmem>>, %arg8: memref<16x128xf32, #tpu.memory_space<vmem>>, %arg9: memref<128x128xf32, #tpu.memory_space<vmem>>, %arg10: memref<1x128xf32, #tpu.memory_space<vmem>>, %arg11: memref<128x128xf32, #tpu.memory_space<vmem>>, %arg12: memref<16x128xf32, #tpu.memory_space<vmem>>, %arg13: memref<128x128xf32, #tpu.memory_space<vmem>>, %arg14: memref<1x128xf32, #tpu.memory_space<vmem>>, %arg15: memref<2000x128xf32, #tpu.memory_space<vmem>>, %arg16: memref<2000x128xf32, #tpu.memory_space<vmem>>) attributes {dimension_semantics = [#tpu.dimension_semantics<arbitrary>], iteration_bounds = array<i64: 160>, scalar_prefetch = 0 : i64, scratch_operands = 0 : i64, tpu.core_type = #tpu.core_type<tc>, window_params = [{transform_indices = @transform_0, window_bounds = array<i64: 2000, 128>}, {transform_indices = @transform_1, window_bounds = array<i64: 2000, 16>}, {transform_indices = @transform_2, window_bounds = array<i64: 2000, 1>}, {transform_indices = @transform_3, window_bounds = array<i64: 2000, 128>}, {pipeline_mode = #tpu.pipeline_mode<synchronous>, transform_indices = @transform_4, window_bounds = array<i64: 1, 128>}, {pipeline_mode = #tpu.pipeline_mode<synchronous>, transform_indices = @transform_5, window_bounds = array<i64: 1, 128>}, {pipeline_mode = #tpu.pipeline_mode<synchronous>, transform_indices = @transform_6, window_bounds = array<i64: 128, 128>}, {pipeline_mode = #tpu.pipeline_mode<synchronous>, transform_indices = @transform_7, window_bounds = array<i64: 16, 128>}, {pipeline_mode = #tpu.pipeline_mode<synchronous>, transform_indices = @transform_8, window_bounds = array<i64: 128, 128>}, {pipeline_mode = #tpu.pipeline_mode<synchronous>, transform_indices = @transform_9, window_bounds = array<i64: 1, 128>}, {pipeline_mode = #tpu.pipeline_mode<synchronous>, transform_indices = @transform_10, window_bounds = array<i64: 128, 128>}, {pipeline_mode = #tpu.pipeline_mode<synchronous>, transform_indices = @transform_11, window_bounds = array<i64: 16, 128>}, {pipeline_mode = #tpu.pipeline_mode<synchronous>, transform_indices = @transform_12, window_bounds = array<i64: 128, 128>}, {pipeline_mode = #tpu.pipeline_mode<synchronous>, transform_indices = @transform_13, window_bounds = array<i64: 1, 128>}, {transform_indices = @transform_14, window_bounds = array<i64: 2000, 128>}, {transform_indices = @transform_15, window_bounds = array<i64: 2000, 128>}]} {
    %get3A = arith.constant 0 : index
    %get3A_0 = arith.constant 0 : index
    %get3A_1 = vector.load %arg3[%get3A, %get3A_0] : memref<2000x1xf32, #tpu.memory_space<vmem>>, vector<2000x1xf32>
    %get3A_2 = arith.constant 0 : index
    %get3A_3 = arith.constant 0 : index
    %get3A_4 = vector.load %arg5[%get3A_2, %get3A_3] : memref<1x128xf32, #tpu.memory_space<vmem>>, vector<1x128xf32>
    %mul3A = vector.broadcast %get3A_1 : vector<2000x1xf32> to vector<2000x128xf32>
    %mul3A_5 = vector.broadcast %get3A_4 : vector<1x128xf32> to vector<2000x128xf32>
    %mul3A_6 = arith.mulf %mul3A, %mul3A_5 : vector<2000x128xf32>
    %get3A_7 = arith.constant 0 : index
    %get3A_8 = arith.constant 0 : index
    %get3A_9 = vector.load %arg6[%get3A_7, %get3A_8] : memref<1x128xf32, #tpu.memory_space<vmem>>, vector<1x128xf32>
    %add3A = vector.broadcast %get3A_9 : vector<1x128xf32> to vector<2000x128xf32>
    %add3A_10 = arith.addf %mul3A_6, %add3A : vector<2000x128xf32>
    %cos3A = math.cos %add3A_10 : vector<2000x128xf32>
    %get3A_11 = arith.constant 0 : index
    %get3A_12 = arith.constant 0 : index
    %get3A_13 = vector.load %arg1[%get3A_11, %get3A_12] : memref<2000x128xf32, #tpu.memory_space<vmem>>, vector<2000x128xf32>
    %get3A_14 = arith.constant 0 : index
    %get3A_15 = arith.constant 0 : index
    %get3A_16 = vector.load %arg2[%get3A_14, %get3A_15] : memref<2000x16xf32, #tpu.memory_space<vmem>>, vector<2000x16xf32>
    %get3A_17 = arith.constant 0 : index
    %get3A_18 = arith.constant 0 : index
    %get3A_19 = vector.load %arg7[%get3A_17, %get3A_18] : memref<128x128xf32, #tpu.memory_space<vmem>>, vector<128x128xf32>
    %dot_general3A = arith.constant dense<0.000000e+00> : vector<2000x128xf32>
    %dot_general3A_20 = tpu.matmul %get3A_13, %get3A_19, %dot_general3A {dimension_numbers = #tpu.dot_dimension_numbers<[1], [0], [0], [1], [0, 0, 1, 1], [], []>, transpose_lhs_hint = false} : vector<2000x128xf32>, vector<128x128xf32>, vector<2000x128xf32> -> vector<2000x128xf32>
    %get3A_21 = arith.constant 0 : index
    %get3A_22 = arith.constant 0 : index
    %get3A_23 = vector.load %arg8[%get3A_21, %get3A_22] : memref<16x128xf32, #tpu.memory_space<vmem>>, vector<16x128xf32>
    %dot_general3A_24 = arith.constant dense<0.000000e+00> : vector<2000x128xf32>
    %dot_general3A_25 = tpu.matmul %get3A_16, %get3A_23, %dot_general3A_24 {dimension_numbers = #tpu.dot_dimension_numbers<[1], [0], [0], [1], [0, 0, 1, 1], [], []>, transpose_lhs_hint = false} : vector<2000x16xf32>, vector<16x128xf32>, vector<2000x128xf32> -> vector<2000x128xf32>
    %add3A_26 = arith.addf %dot_general3A_20, %dot_general3A_25 : vector<2000x128xf32>
    %get3A_27 = arith.constant 0 : index
    %get3A_28 = arith.constant 0 : index
    %get3A_29 = vector.load %arg9[%get3A_27, %get3A_28] : memref<128x128xf32, #tpu.memory_space<vmem>>, vector<128x128xf32>
    %dot_general3A_30 = arith.constant dense<0.000000e+00> : vector<2000x128xf32>
    %dot_general3A_31 = tpu.matmul %cos3A, %get3A_29, %dot_general3A_30 {dimension_numbers = #tpu.dot_dimension_numbers<[1], [0], [0], [1], [0, 0, 1, 1], [], []>, transpose_lhs_hint = false} : vector<2000x128xf32>, vector<128x128xf32>, vector<2000x128xf32> -> vector<2000x128xf32>
    %add3A_32 = arith.addf %add3A_26, %dot_general3A_31 : vector<2000x128xf32>
    %get3A_33 = arith.constant 0 : index
    %get3A_34 = arith.constant 0 : index
    %get3A_35 = vector.load %arg10[%get3A_33, %get3A_34] : memref<1x128xf32, #tpu.memory_space<vmem>>, vector<1x128xf32>
    %add3A_36 = vector.broadcast %get3A_35 : vector<1x128xf32> to vector<2000x128xf32>
    %add3A_37 = arith.addf %add3A_32, %add3A_36 : vector<2000x128xf32>
    %get3A_38 = arith.constant 0 : index
    %get3A_39 = arith.constant 0 : index
    %get3A_40 = vector.load %arg11[%get3A_38, %get3A_39] : memref<128x128xf32, #tpu.memory_space<vmem>>, vector<128x128xf32>
    %dot_general3A_41 = arith.constant dense<0.000000e+00> : vector<2000x128xf32>
    %dot_general3A_42 = tpu.matmul %get3A_13, %get3A_40, %dot_general3A_41 {dimension_numbers = #tpu.dot_dimension_numbers<[1], [0], [0], [1], [0, 0, 1, 1], [], []>, transpose_lhs_hint = false} : vector<2000x128xf32>, vector<128x128xf32>, vector<2000x128xf32> -> vector<2000x128xf32>
    %get3A_43 = arith.constant 0 : index
    %get3A_44 = arith.constant 0 : index
    %get3A_45 = vector.load %arg12[%get3A_43, %get3A_44] : memref<16x128xf32, #tpu.memory_space<vmem>>, vector<16x128xf32>
    %dot_general3A_46 = arith.constant dense<0.000000e+00> : vector<2000x128xf32>
    %dot_general3A_47 = tpu.matmul %get3A_16, %get3A_45, %dot_general3A_46 {dimension_numbers = #tpu.dot_dimension_numbers<[1], [0], [0], [1], [0, 0, 1, 1], [], []>, transpose_lhs_hint = false} : vector<2000x16xf32>, vector<16x128xf32>, vector<2000x128xf32> -> vector<2000x128xf32>
    %add3A_48 = arith.addf %dot_general3A_42, %dot_general3A_47 : vector<2000x128xf32>
    %get3A_49 = arith.constant 0 : index
    %get3A_50 = arith.constant 0 : index
    %get3A_51 = vector.load %arg13[%get3A_49, %get3A_50] : memref<128x128xf32, #tpu.memory_space<vmem>>, vector<128x128xf32>
    %dot_general3A_52 = arith.constant dense<0.000000e+00> : vector<2000x128xf32>
    %dot_general3A_53 = tpu.matmul %cos3A, %get3A_51, %dot_general3A_52 {dimension_numbers = #tpu.dot_dimension_numbers<[1], [0], [0], [1], [0, 0, 1, 1], [], []>, transpose_lhs_hint = false} : vector<2000x128xf32>, vector<128x128xf32>, vector<2000x128xf32> -> vector<2000x128xf32>
    %add3A_54 = arith.addf %add3A_48, %dot_general3A_53 : vector<2000x128xf32>
    %get3A_55 = arith.constant 0 : index
    %get3A_56 = arith.constant 0 : index
    %get3A_57 = vector.load %arg14[%get3A_55, %get3A_56] : memref<1x128xf32, #tpu.memory_space<vmem>>, vector<1x128xf32>
    %add3A_58 = vector.broadcast %get3A_57 : vector<1x128xf32> to vector<2000x128xf32>
    %add3A_59 = arith.addf %add3A_54, %add3A_58 : vector<2000x128xf32>
    %get3A_60 = arith.constant 0 : index
    %get3A_61 = arith.constant 0 : index
    %get3A_62 = vector.load %arg4[%get3A_60, %get3A_61] : memref<2000x128xf32, #tpu.memory_space<vmem>>, vector<2000x128xf32>
    %mul3A_63 = arith.mulf %get3A_62, %add3A_37 : vector<2000x128xf32>
    %slice3A = vector.extract_strided_slice %mul3A_63 {offsets = [0, 0], sizes = [2000, 64], strides = [1, 1]} : vector<2000x128xf32> to vector<2000x64xf32>
    %reduce_sum3A = arith.constant dense<0.000000e+00> : vector<2000xf32>
    %reduce_sum3A_64 = vector.multi_reduction <add>, %slice3A, %reduce_sum3A [1] : vector<2000x64xf32> to vector<2000xf32>
    %broadcast_in_dim3A = vector.shape_cast %reduce_sum3A_64 : vector<2000xf32> to vector<2000x1xf32>
    %slice3A_65 = vector.extract_strided_slice %mul3A_63 {offsets = [0, 64], sizes = [2000, 64], strides = [1, 1]} : vector<2000x128xf32> to vector<2000x64xf32>
    %reduce_sum3A_66 = arith.constant dense<0.000000e+00> : vector<2000xf32>
    %reduce_sum3A_67 = vector.multi_reduction <add>, %slice3A_65, %reduce_sum3A_66 [1] : vector<2000x64xf32> to vector<2000xf32>
    %broadcast_in_dim3A_68 = vector.shape_cast %reduce_sum3A_67 : vector<2000xf32> to vector<2000x1xf32>
    %ge3A = arith.constant 0.000000e+00 : f32
    %ge3A_69 = vector.broadcast %ge3A : f32 to vector<2000x1xf32>
    %ge3A_70 = arith.cmpf oge, %broadcast_in_dim3A, %ge3A_69 : vector<2000x1xf32>
    %mul3A_71 = arith.constant 2.000000e-01 : f32
    %mul3A_72 = vector.broadcast %mul3A_71 : f32 to vector<2000x1xf32>
    %mul3A_73 = arith.mulf %mul3A_72, %broadcast_in_dim3A : vector<2000x1xf32>
    %select_n3A = arith.select %ge3A_70, %broadcast_in_dim3A, %mul3A_73 : vector<2000x1xi1>, vector<2000x1xf32>
    %ge3A_74 = arith.constant 0.000000e+00 : f32
    %ge3A_75 = vector.broadcast %ge3A_74 : f32 to vector<2000x1xf32>
    %ge3A_76 = arith.cmpf oge, %broadcast_in_dim3A_68, %ge3A_75 : vector<2000x1xf32>
    %mul3A_77 = arith.constant 2.000000e-01 : f32
    %mul3A_78 = vector.broadcast %mul3A_77 : f32 to vector<2000x1xf32>
    %mul3A_79 = arith.mulf %mul3A_78, %broadcast_in_dim3A_68 : vector<2000x1xf32>
    %select_n3A_80 = arith.select %ge3A_76, %broadcast_in_dim3A_68, %mul3A_79 : vector<2000x1xi1>, vector<2000x1xf32>
    %exp3A = math.exp %select_n3A : vector<2000x1xf32>
    %exp3A_81 = math.exp %select_n3A_80 : vector<2000x1xf32>
    %iota3A = tpu.iota {dimensions = array<i32: 1>} : vector<2000x128xi32>
    %lt3A = arith.constant 64 : i32
    %lt3A_82 = vector.broadcast %lt3A : i32 to vector<2000x128xi32>
    %lt3A_83 = arith.cmpi slt, %iota3A, %lt3A_82 : vector<2000x128xi32>
    %broadcast_in_dim3A_84 = vector.shape_cast %exp3A : vector<2000x1xf32> to vector<2000x1xf32>
    %broadcast_in_dim3A_85 = vector.broadcast %broadcast_in_dim3A_84 : vector<2000x1xf32> to vector<2000x128xf32>
    %broadcast_in_dim3A_86 = vector.shape_cast %exp3A_81 : vector<2000x1xf32> to vector<2000x1xf32>
    %broadcast_in_dim3A_87 = vector.broadcast %broadcast_in_dim3A_86 : vector<2000x1xf32> to vector<2000x128xf32>
    %select_n3A_88 = arith.select %lt3A_83, %broadcast_in_dim3A_85, %broadcast_in_dim3A_87 : vector<2000x128xi1>, vector<2000x128xf32>
    %mul3A_89 = arith.mulf %add3A_59, %select_n3A_88 : vector<2000x128xf32>
    %swap3A = arith.constant 0 : index
    %swap3A_90 = arith.constant 0 : index
    %swap3A_91 = vector.load %arg15[%swap3A, %swap3A_90] : memref<2000x128xf32, #tpu.memory_space<vmem>>, vector<2000x128xf32>
    tpu.vector_store %arg15[%swap3A, %swap3A_90], %mul3A_89 {strides = array<i32>} : memref<2000x128xf32, #tpu.memory_space<vmem>>, vector<2000x128xf32>,
    %eq3A = arith.constant 0 : i32
    %eq3A_92 = vector.broadcast %eq3A : i32 to vector<2000x128xi32>
    %eq3A_93 = arith.cmpi eq, %iota3A, %eq3A_92 : vector<2000x128xi32>
    %eq3A_94 = arith.constant 1 : i32
    %eq3A_95 = vector.broadcast %eq3A_94 : i32 to vector<2000x128xi32>
    %eq3A_96 = arith.cmpi eq, %iota3A, %eq3A_95 : vector<2000x128xi32>
    %jit3A = arith.constant 0.000000e+00 : f32
    %broadcast_in_dim3A_97 = vector.shape_cast %exp3A_81 : vector<2000x1xf32> to vector<2000x1xf32>
    %broadcast_in_dim3A_98 = vector.broadcast %broadcast_in_dim3A_97 : vector<2000x1xf32> to vector<2000x128xf32>
    %broadcast_in_dim3A_99 = vector.broadcast %jit3A : f32 to vector<2000x128xf32>
    %select_n3A_100 = arith.select %eq3A_96, %broadcast_in_dim3A_98, %broadcast_in_dim3A_99 : vector<2000x128xi1>, vector<2000x128xf32>
    %broadcast_in_dim3A_101 = vector.shape_cast %exp3A : vector<2000x1xf32> to vector<2000x1xf32>
    %broadcast_in_dim3A_102 = vector.broadcast %broadcast_in_dim3A_101 : vector<2000x1xf32> to vector<2000x128xf32>
    %select_n3A_103 = arith.select %eq3A_93, %broadcast_in_dim3A_102, %select_n3A_100 : vector<2000x128xi1>, vector<2000x128xf32>
    %swap3A_104 = arith.constant 0 : index
    %swap3A_105 = arith.constant 0 : index
    %swap3A_106 = vector.load %arg16[%swap3A_104, %swap3A_105] : memref<2000x128xf32, #tpu.memory_space<vmem>>, vector<2000x128xf32>
    tpu.vector_store %arg16[%swap3A_104, %swap3A_105], %select_n3A_103 {strides = array<i32>} : memref<2000x128xf32, #tpu.memory_space<vmem>>, vector<2000x128xf32>,
    return
  }
  func.func @transform_0(%arg0: i32) -> (i32, i32) {
    %add3A = arith.constant 5 : i32
    %add3A_0 = arith.addi %arg0, %add3A : i32
    %c0_i32 = arith.constant 0 : i32
    %c0_i32_1 = arith.constant 0 : i32
    return %add3A_0, %c0_i32 : i32, i32
  }
  func.func @transform_1(%arg0: i32) -> (i32, i32) {
    %c0_i32 = arith.constant 0 : i32
    %c0_i32_0 = arith.constant 0 : i32
    return %arg0, %c0_i32 : i32, i32
  }
  func.func @transform_2(%arg0: i32) -> (i32, i32) {
    %c0_i32 = arith.constant 0 : i32
    %c0_i32_0 = arith.constant 0 : i32
    return %arg0, %c0_i32 : i32, i32
  }
  func.func @transform_3(%arg0: i32) -> (i32, i32) {
    %c0_i32 = arith.constant 0 : i32
    %c0_i32_0 = arith.constant 0 : i32
    return %arg0, %c0_i32 : i32, i32
  }
  func.func @transform_4(%arg0: i32) -> (i32, i32) {
    %c0_i32 = arith.constant 0 : i32
    %c0_i32_0 = arith.constant 0 : i32
    %c0_i32_1 = arith.constant 0 : i32
    return %c0_i32, %c0_i32_0 : i32, i32
  }
  func.func @transform_5(%arg0: i32) -> (i32, i32) {
    %c0_i32 = arith.constant 0 : i32
    %c0_i32_0 = arith.constant 0 : i32
    %c0_i32_1 = arith.constant 0 : i32
    return %c0_i32, %c0_i32_0 : i32, i32
  }
  func.func @transform_6(%arg0: i32) -> (i32, i32) {
    %c0_i32 = arith.constant 0 : i32
    %c0_i32_0 = arith.constant 0 : i32
    %c0_i32_1 = arith.constant 0 : i32
    return %c0_i32, %c0_i32_0 : i32, i32
  }
  func.func @transform_7(%arg0: i32) -> (i32, i32) {
    %c0_i32 = arith.constant 0 : i32
    %c0_i32_0 = arith.constant 0 : i32
    %c0_i32_1 = arith.constant 0 : i32
    return %c0_i32, %c0_i32_0 : i32, i32
  }
  func.func @transform_8(%arg0: i32) -> (i32, i32) {
    %c0_i32 = arith.constant 0 : i32
    %c0_i32_0 = arith.constant 0 : i32
    %c0_i32_1 = arith.constant 0 : i32
    return %c0_i32, %c0_i32_0 : i32, i32
  }
  func.func @transform_9(%arg0: i32) -> (i32, i32) {
    %c0_i32 = arith.constant 0 : i32
    %c0_i32_0 = arith.constant 0 : i32
    %c0_i32_1 = arith.constant 0 : i32
    return %c0_i32, %c0_i32_0 : i32, i32
  }
  func.func @transform_10(%arg0: i32) -> (i32, i32) {
    %c0_i32 = arith.constant 0 : i32
    %c0_i32_0 = arith.constant 0 : i32
    %c0_i32_1 = arith.constant 0 : i32
    return %c0_i32, %c0_i32_0 : i32, i32
  }
  func.func @transform_11(%arg0: i32) -> (i32, i32) {
    %c0_i32 = arith.constant 0 : i32
    %c0_i32_0 = arith.constant 0 : i32
    %c0_i32_1 = arith.constant 0 : i32
    return %c0_i32, %c0_i32_0 : i32, i32
  }
  func.func @transform_12(%arg0: i32) -> (i32, i32) {
    %c0_i32 = arith.constant 0 : i32
    %c0_i32_0 = arith.constant 0 : i32
    %c0_i32_1 = arith.constant 0 : i32
    return %c0_i32, %c0_i32_0 : i32, i32
  }
  func.func @transform_13(%arg0: i32) -> (i32, i32) {
    %c0_i32 = arith.constant 0 : i32
    %c0_i32_0 = arith.constant 0 : i32
    %c0_i32_1 = arith.constant 0 : i32
    return %c0_i32, %c0_i32_0 : i32, i32
  }
  func.func @transform_14(%arg0: i32) -> (i32, i32) {
    %c0_i32 = arith.constant 0 : i32
    %c0_i32_0 = arith.constant 0 : i32
    return %arg0, %c0_i32 : i32, i32
  }
  func.func @transform_15(%arg0: i32) -> (i32, i32) {
    %c0_i32 = arith.constant 0 : i32
    %c0_i32_0 = arith.constant 0 : i32
    return %arg0, %c0_i32 : i32, i32
  }
}

module attributes {stable_mosaic.version = 14 : i64} {
  func.func @_final_body(%arg0: i32, %arg1: memref<2x2000x128xf32, #tpu.memory_space<vmem>>, %arg2: memref<2x2000x128xf32, #tpu.memory_space<vmem>>, %arg3: memref<2000x128xf32, #tpu.memory_space<vmem>>, %arg4: memref<128x128xf32, #tpu.memory_space<vmem>>, %arg5: memref<128x128xf32, #tpu.memory_space<vmem>>, %arg6: memref<1x128xf32, #tpu.memory_space<vmem>>, %arg7: memref<1x128xf32, #tpu.memory_space<vmem>>, %arg8: memref<1x128xf32, #tpu.memory_space<vmem>>, %arg9: memref<2000x128xf32, #tpu.memory_space<vmem>>) attributes {dimension_semantics = [#tpu.dimension_semantics<arbitrary>], iteration_bounds = array<i64: 5>, scalar_prefetch = 0 : i64, scratch_operands = 0 : i64, tpu.core_type = #tpu.core_type<tc>, window_params = [{transform_indices = @transform_0, window_bounds = array<i64: 2, 2000, 128>}, {transform_indices = @transform_1, window_bounds = array<i64: 2, 2000, 128>}, {transform_indices = @transform_2, window_bounds = array<i64: 2000, 128>}, {pipeline_mode = #tpu.pipeline_mode<synchronous>, transform_indices = @transform_3, window_bounds = array<i64: 128, 128>}, {pipeline_mode = #tpu.pipeline_mode<synchronous>, transform_indices = @transform_4, window_bounds = array<i64: 128, 128>}, {pipeline_mode = #tpu.pipeline_mode<synchronous>, transform_indices = @transform_5, window_bounds = array<i64: 1, 128>}, {pipeline_mode = #tpu.pipeline_mode<synchronous>, transform_indices = @transform_6, window_bounds = array<i64: 1, 128>}, {pipeline_mode = #tpu.pipeline_mode<synchronous>, transform_indices = @transform_7, window_bounds = array<i64: 1, 128>}, {transform_indices = @transform_8, window_bounds = array<i64: 2000, 128>}]} {
    %get3A = arith.constant 0 : index
    %get3A_0 = arith.constant 0 : index
    %get3A_1 = arith.constant 0 : index
    %get3A_2 = vector.load %arg1[%get3A, %get3A_0, %get3A_1] : memref<2x2000x128xf32, #tpu.memory_space<vmem>>, vector<1x2000x128xf32>
    %get3A_3 = vector.shape_cast %get3A_2 : vector<1x2000x128xf32> to vector<2000x128xf32>
    %get3A_4 = arith.constant 1 : index
    %get3A_5 = arith.constant 0 : index
    %get3A_6 = arith.constant 0 : index
    %get3A_7 = vector.load %arg1[%get3A_4, %get3A_5, %get3A_6] : memref<2x2000x128xf32, #tpu.memory_space<vmem>>, vector<1x2000x128xf32>
    %get3A_8 = vector.shape_cast %get3A_7 : vector<1x2000x128xf32> to vector<2000x128xf32>
    %add3A = arith.addf %get3A_3, %get3A_8 : vector<2000x128xf32>
    %get3A_9 = arith.constant 0 : index
    %get3A_10 = arith.constant 0 : index
    %get3A_11 = arith.constant 0 : index
    %get3A_12 = vector.load %arg2[%get3A_9, %get3A_10, %get3A_11] : memref<2x2000x128xf32, #tpu.memory_space<vmem>>, vector<1x2000x128xf32>
    %get3A_13 = vector.shape_cast %get3A_12 : vector<1x2000x128xf32> to vector<2000x128xf32>
    %get3A_14 = arith.constant 1 : index
    %get3A_15 = arith.constant 0 : index
    %get3A_16 = arith.constant 0 : index
    %get3A_17 = vector.load %arg2[%get3A_14, %get3A_15, %get3A_16] : memref<2x2000x128xf32, #tpu.memory_space<vmem>>, vector<1x2000x128xf32>
    %get3A_18 = vector.shape_cast %get3A_17 : vector<1x2000x128xf32> to vector<2000x128xf32>
    %add3A_19 = arith.addf %get3A_13, %get3A_18 : vector<2000x128xf32>
    %slice3A = vector.extract_strided_slice %add3A_19 {offsets = [0, 0], sizes = [2000, 1], strides = [1, 1]} : vector<2000x128xf32> to vector<2000x1xf32>
    %slice3A_20 = vector.extract_strided_slice %add3A_19 {offsets = [0, 1], sizes = [2000, 1], strides = [1, 1]} : vector<2000x128xf32> to vector<2000x1xf32>
    %iota3A = tpu.iota {dimensions = array<i32: 1>} : vector<2000x128xi32>
    %lt3A = arith.constant 64 : i32
    %lt3A_21 = vector.broadcast %lt3A : i32 to vector<2000x128xi32>
    %lt3A_22 = arith.cmpi slt, %iota3A, %lt3A_21 : vector<2000x128xi32>
    %broadcast_in_dim3A = vector.shape_cast %slice3A : vector<2000x1xf32> to vector<2000x1xf32>
    %broadcast_in_dim3A_23 = vector.broadcast %broadcast_in_dim3A : vector<2000x1xf32> to vector<2000x128xf32>
    %broadcast_in_dim3A_24 = vector.shape_cast %slice3A_20 : vector<2000x1xf32> to vector<2000x1xf32>
    %broadcast_in_dim3A_25 = vector.broadcast %broadcast_in_dim3A_24 : vector<2000x1xf32> to vector<2000x128xf32>
    %select_n3A = arith.select %lt3A_22, %broadcast_in_dim3A_23, %broadcast_in_dim3A_25 : vector<2000x128xi1>, vector<2000x128xf32>
    %max3A = arith.constant 1.000000e-16 : f32
    %max3A_26 = vector.broadcast %max3A : f32 to vector<2000x128xf32>
    %max3A_27 = arith.maximumf %select_n3A, %max3A_26 : vector<2000x128xf32>
    %div3A = arith.divf %add3A, %max3A_27 : vector<2000x128xf32>
    %get3A_28 = arith.constant 0 : index
    %get3A_29 = arith.constant 0 : index
    %get3A_30 = vector.load %arg4[%get3A_28, %get3A_29] : memref<128x128xf32, #tpu.memory_space<vmem>>, vector<128x128xf32>
    %dot_general3A = arith.constant dense<0.000000e+00> : vector<2000x128xf32>
    %dot_general3A_31 = tpu.matmul %div3A, %get3A_30, %dot_general3A {dimension_numbers = #tpu.dot_dimension_numbers<[1], [0], [0], [1], [0, 0, 1, 1], [], []>, transpose_lhs_hint = false} : vector<2000x128xf32>, vector<128x128xf32>, vector<2000x128xf32> -> vector<2000x128xf32>
    %get3A_32 = arith.constant 0 : index
    %get3A_33 = arith.constant 0 : index
    %get3A_34 = vector.load %arg3[%get3A_32, %get3A_33] : memref<2000x128xf32, #tpu.memory_space<vmem>>, vector<2000x128xf32>
    %get3A_35 = arith.constant 0 : index
    %get3A_36 = arith.constant 0 : index
    %get3A_37 = vector.load %arg5[%get3A_35, %get3A_36] : memref<128x128xf32, #tpu.memory_space<vmem>>, vector<128x128xf32>
    %dot_general3A_38 = arith.constant dense<0.000000e+00> : vector<2000x128xf32>
    %dot_general3A_39 = tpu.matmul %get3A_34, %get3A_37, %dot_general3A_38 {dimension_numbers = #tpu.dot_dimension_numbers<[1], [0], [0], [1], [0, 0, 1, 1], [], []>, transpose_lhs_hint = false} : vector<2000x128xf32>, vector<128x128xf32>, vector<2000x128xf32> -> vector<2000x128xf32>
    %add3A_40 = arith.addf %dot_general3A_31, %dot_general3A_39 : vector<2000x128xf32>
    %get3A_41 = arith.constant 0 : index
    %get3A_42 = arith.constant 0 : index
    %get3A_43 = vector.load %arg6[%get3A_41, %get3A_42] : memref<1x128xf32, #tpu.memory_space<vmem>>, vector<1x128xf32>
    %add3A_44 = vector.broadcast %get3A_43 : vector<1x128xf32> to vector<2000x128xf32>
    %add3A_45 = arith.addf %add3A_40, %add3A_44 : vector<2000x128xf32>
    %max3A_46 = arith.constant 0.000000e+00 : f32
    %max3A_47 = vector.broadcast %max3A_46 : f32 to vector<2000x128xf32>
    %max3A_48 = arith.maximumf %add3A_45, %max3A_47 : vector<2000x128xf32>
    %reduce_sum3A = arith.constant dense<0.000000e+00> : vector<2000xf32>
    %reduce_sum3A_49 = vector.multi_reduction <add>, %max3A_48, %reduce_sum3A [1] : vector<2000x128xf32> to vector<2000xf32>
    %broadcast_in_dim3A_50 = vector.shape_cast %reduce_sum3A_49 : vector<2000xf32> to vector<2000x1xf32>
    %div3A_51 = arith.constant 1.280000e+02 : f32
    %div3A_52 = vector.broadcast %div3A_51 : f32 to vector<2000x1xf32>
    %div3A_53 = arith.divf %broadcast_in_dim3A_50, %div3A_52 : vector<2000x1xf32>
    %sub3A = vector.broadcast %div3A_53 : vector<2000x1xf32> to vector<2000x128xf32>
    %sub3A_54 = arith.subf %max3A_48, %sub3A : vector<2000x128xf32>
    %mul3A = arith.mulf %sub3A_54, %sub3A_54 : vector<2000x128xf32>
    %reduce_sum3A_55 = arith.constant dense<0.000000e+00> : vector<2000xf32>
    %reduce_sum3A_56 = vector.multi_reduction <add>, %mul3A, %reduce_sum3A_55 [1] : vector<2000x128xf32> to vector<2000xf32>
    %broadcast_in_dim3A_57 = vector.shape_cast %reduce_sum3A_56 : vector<2000xf32> to vector<2000x1xf32>
    %div3A_58 = arith.constant 1.280000e+02 : f32
    %div3A_59 = vector.broadcast %div3A_58 : f32 to vector<2000x1xf32>
    %div3A_60 = arith.divf %broadcast_in_dim3A_57, %div3A_59 : vector<2000x1xf32>
    %add3A_61 = arith.constant 9.99999974E-6 : f32
    %add3A_62 = vector.broadcast %add3A_61 : f32 to vector<2000x1xf32>
    %add3A_63 = arith.addf %div3A_60, %add3A_62 : vector<2000x1xf32>
    %sqrt3A = math.sqrt %add3A_63 : vector<2000x1xf32>
    %div3A_64 = vector.broadcast %sqrt3A : vector<2000x1xf32> to vector<2000x128xf32>
    %div3A_65 = arith.divf %sub3A_54, %div3A_64 : vector<2000x128xf32>
    %get3A_66 = arith.constant 0 : index
    %get3A_67 = arith.constant 0 : index
    %get3A_68 = vector.load %arg7[%get3A_66, %get3A_67] : memref<1x128xf32, #tpu.memory_space<vmem>>, vector<1x128xf32>
    %mul3A_69 = vector.broadcast %get3A_68 : vector<1x128xf32> to vector<2000x128xf32>
    %mul3A_70 = arith.mulf %div3A_65, %mul3A_69 : vector<2000x128xf32>
    %get3A_71 = arith.constant 0 : index
    %get3A_72 = arith.constant 0 : index
    %get3A_73 = vector.load %arg8[%get3A_71, %get3A_72] : memref<1x128xf32, #tpu.memory_space<vmem>>, vector<1x128xf32>
    %add3A_74 = vector.broadcast %get3A_73 : vector<1x128xf32> to vector<2000x128xf32>
    %add3A_75 = arith.addf %mul3A_70, %add3A_74 : vector<2000x128xf32>
    %swap3A = arith.constant 0 : index
    %swap3A_76 = arith.constant 0 : index
    %swap3A_77 = vector.load %arg9[%swap3A, %swap3A_76] : memref<2000x128xf32, #tpu.memory_space<vmem>>, vector<2000x128xf32>
    tpu.vector_store %arg9[%swap3A, %swap3A_76], %add3A_75 {strides = array<i32>} : memref<2000x128xf32, #tpu.memory_space<vmem>>, vector<2000x128xf32>,
    return
  }
  func.func @transform_0(%arg0: i32) -> (i32, i32, i32) {
    %c0_i32 = arith.constant 0 : i32
    %c0_i32_0 = arith.constant 0 : i32
    %c0_i32_1 = arith.constant 0 : i32
    return %c0_i32, %arg0, %c0_i32_0 : i32, i32, i32
  }
  func.func @transform_1(%arg0: i32) -> (i32, i32, i32) {
    %c0_i32 = arith.constant 0 : i32
    %c0_i32_0 = arith.constant 0 : i32
    %c0_i32_1 = arith.constant 0 : i32
    return %c0_i32, %arg0, %c0_i32_0 : i32, i32, i32
  }
  func.func @transform_2(%arg0: i32) -> (i32, i32) {
    %c0_i32 = arith.constant 0 : i32
    %c0_i32_0 = arith.constant 0 : i32
    return %arg0, %c0_i32 : i32, i32
  }
  func.func @transform_3(%arg0: i32) -> (i32, i32) {
    %c0_i32 = arith.constant 0 : i32
    %c0_i32_0 = arith.constant 0 : i32
    %c0_i32_1 = arith.constant 0 : i32
    return %c0_i32, %c0_i32_0 : i32, i32
  }
  func.func @transform_4(%arg0: i32) -> (i32, i32) {
    %c0_i32 = arith.constant 0 : i32
    %c0_i32_0 = arith.constant 0 : i32
    %c0_i32_1 = arith.constant 0 : i32
    return %c0_i32, %c0_i32_0 : i32, i32
  }
  func.func @transform_5(%arg0: i32) -> (i32, i32) {
    %c0_i32 = arith.constant 0 : i32
    %c0_i32_0 = arith.constant 0 : i32
    %c0_i32_1 = arith.constant 0 : i32
    return %c0_i32, %c0_i32_0 : i32, i32
  }
  func.func @transform_6(%arg0: i32) -> (i32, i32) {
    %c0_i32 = arith.constant 0 : i32
    %c0_i32_0 = arith.constant 0 : i32
    %c0_i32_1 = arith.constant 0 : i32
    return %c0_i32, %c0_i32_0 : i32, i32
  }
  func.func @transform_7(%arg0: i32) -> (i32, i32) {
    %c0_i32 = arith.constant 0 : i32
    %c0_i32_0 = arith.constant 0 : i32
    %c0_i32_1 = arith.constant 0 : i32
    return %c0_i32, %c0_i32_0 : i32, i32
  }
  func.func @transform_8(%arg0: i32) -> (i32, i32) {
    %c0_i32 = arith.constant 0 : i32
    %c0_i32_0 = arith.constant 0 : i32
    return %arg0, %c0_i32 : i32, i32
  }
}

</mosaic_0001>

<sc_bundles>
// kernel: kernel.11.cloned.1.call-start
scs
__scs_entry_jumppad:
0x0: {  	(pc) =	sbr.rel $0x88, $3  }
0x1: {  	(tag) =	ssettag $0x0;
	lr =	simm.s32 $0x1  }
0x2: {  	[smem:$0x3F91] =	sst lr;
	_ =	strace $0xD0000000  }
0x3: {  	_ = 	snop  }
0x4: {  	_ = 	snop  }
0x5: {  	_ = 	snop  }
0x6: {  	_ = 	snop  }
0x7: {  	_ = 	snop  }
__scs_overlays_trampoline_lowered:
0x8: {  	[smem:$0x3FA0] =	sst s0  }
0x9: {  	[smem:$0x3FA1] =	sst s1  }
0xa: {  	[smem:$0x3FA2] =	sst s2  }
0xb: {  	[smem:$0x3FA3] =	sst s3  }
0xc: {  	[smem:$0x3FA4] =	sst s4  }
0xd: {  	[smem:$0x3FA5] =	sst s5  }
0xe: {  	[smem:$0x3FA6] =	sst s6  }
0xf: {  	[smem:$0x3FA7] =	sst s7  }
0x10: {  	[smem:$0x3FA8] =	sst s8  }
0x11: {  	[smem:$0x3FA9] =	sst s9;
	s0 =	simm.s32 @!p0 $0x0  }
0x12: {  	s1 =	sld [smem:$0x3F8F];
	s0 =	simm.s32 @p0 $0x1  }
0x13: {  	[smem:$0x3FAA] =	sst s0;
	s0 =	simm.s32 @!p1 $0x0  }
0x14: {  	s2 =	sld [smem:$0x3F8E];
	s0 =	simm.s32 @p1 $0x1  }
0x15: {  	[smem:$0x3FAB] =	sst s0;
	s0 =	simm.s32 @!p2 $0x0  }
0x16: {  	s3 =	sld [smem:$0x3FDB];
	s0 =	simm.s32 @p2 $0x1  }
0x17: {  	s4 =	simm.s32 $0x1BF5;
	[smem:$0x3FAD] =	sst s0  }
0x18: {  	s0 =	sld [smem:$0x3F90];
	_ =	swait.ge [sflag:s4], $0x0  }
0x19: {  	s7 =	sld [smem:$0x3F91]  }
0x1a: {  	s8 =	sadd.s32 $0xFFFFE003, lr  }
0x1b: {  	s9 =	sadd.s32 $0xFFFFFEF7, lr;
	s5 =	simm.s32 $0xFFFFFFFF;
	p2 =	slt.u32 s8, $0xFFFFF086  }
0x1c: {  	p1 =	slt.u32 s9, $0xF7A;
	s5 =	simm.s32 @!p2 $0x0  }
0x1d: {  	s5 =	simm.s32 @p1 $0x1;
	p0 =	seq.s32 s7, s2  }
0x1e: {  	s7 =	smul.u32 @!p0 $0xF7A, s2;
	p2 =	seq.s32 @!p0 s5, $0x0  }
0x1f: {  	s9 =	smul.u32 $0xF7A, s1;
	s8 =	simm.s32 @!p0 $0x1BF5;
	p2 =	por !p2, p0  }
0x20: {  	[sflag:s8] =	ssyncset.s32 @!p0 $0xFFFFF086;
	s6 =	sadd.s32 @!p0 s3, s7;
	s7 =	simm.s32 @!p0 $0x108  }
0x21: {  	s3 =	sadd.s32 s3, s9;
	s6 =	sadd.s32 @!p0 $0x88, s6;
	s7 =	simm.s32 @p2 $0x1082  }
0x22: {  	[simem:s7], [sflag:s8] =	dma.local @!p0 [hbm:s6], $0xF7A  }
0x23: {  	s9 =	sor.u32 $0xD0000000, s2;
	s6 =	simm.s32 $0x108;
	_ =	swait.ge @!p0 [sflag:s8], $0x0  }
0x24: {  	s3 =	sadd.s32 $0x88, s3;
	s6 =	simm.s32 @!p1 $0x1082;
	[sflag:s4] =	ssyncset.s32 $0xFFFFF086  }
0x25: {  	[simem:s6], [sflag:s4] =	dma.local [hbm:s3], $0xF7A  }
0x26: {  	[smem:$0x3F91] =	sst s1;
	(tag) =	ssettag s2;
	_ =	strace s9  }
0x27: {  	s1 =	sld [smem:$0x3FA1]  }
0x28: {  	s2 =	sld [smem:$0x3FA2]  }
0x29: {  	s4 =	sld [smem:$0x3FA4]  }
0x2a: {  	p0 =	seq.s32 s5, $0x0;
	s5 =	sld [smem:$0x3FA5]  }
0x2b: {  	s6 =	sld [smem:$0x3FA6]  }
0x2c: {  	s7 =	sld [smem:$0x3FA7]  }
0x2d: {  	s3 =	simm.s32 $0x108;
	s8 =	sld [smem:$0x3FA8]  }
0x2e: {  	s3 =	simm.s32 @!p0 $0x1082;
	s9 =	sld [smem:$0x3FA9]  }
0x2f: {  	lr =	sadd.s32 s0, s3;
	s0 =	sld [smem:$0x3FA0]  }
0x30: {  	s3 =	sld [smem:$0x3FA3]  }
0x31: {  	[smem:$0x3FAC] =	sst s10  }
0x32: {  	s10 =	sld [smem:$0x3FAA];
	_ =	sdelay $0x3  }
0x33: {  	p0 =	seq.s32 s10, $0x1;
	s10 =	sld [smem:$0x3FAC];
	_ =	sdelay $0x3  }
0x34: {  	[smem:$0x3FAC] =	sst s10  }
0x35: {  	s10 =	sld [smem:$0x3FAB];
	_ =	sdelay $0x3  }
0x36: {  	p1 =	seq.s32 s10, $0x1;
	s10 =	sld [smem:$0x3FAC];
	_ =	sdelay $0x3  }
0x37: {  	[smem:$0x3FAC] =	sst s10  }
0x38: {  	s10 =	sld [smem:$0x3FAD]  }
0x39: {  	_ = 	snop;
	(pc) =	sbr.ind lr, $3  }
0x3a: {  	_ = 	snop  }
0x3b: {  	_ = 	snop  }
0x3c: {  	p2 =	seq.s32 s10, $0x1;
	s10 =	sld [smem:$0x3FAC]  }
0x3d: {  	_ =	shalt  }
0x3e: {  	_ =	shalt  }
0x3f: {  	_ =	shalt  }
0x40: {  	_ =	shalt  }
0x41: {  	_ =	shalt  }
0x42: {  	_ =	shalt  }
0x43: {  	_ =	shalt  }
0x44: {  	_ =	shalt  }
0x45: {  	_ =	shalt  }
0x46: {  	_ =	shalt  }
0x47: {  	_ =	shalt  }
0x48: {  	_ =	shalt  }
0x49: {  	_ =	shalt  }
0x4a: {  	_ =	shalt  }
0x4b: {  	_ =	shalt  }
0x4c: {  	_ =	shalt  }
0x4d: {  	_ =	shalt  }
0x4e: {  	_ =	shalt  }
0x4f: {  	_ =	shalt  }
0x50: {  	_ =	shalt  }
0x51: {  	_ =	shalt  }
0x52: {  	_ =	shalt  }
0x53: {  	_ =	shalt  }
0x54: {  	_ =	shalt  }
0x55: {  	_ =	shalt  }
0x56: {  	_ =	shalt  }
0x57: {  	_ =	shalt  }
0x58: {  	_ =	shalt  }
0x59: {  	_ =	shalt  }
0x5a: {  	_ =	shalt  }
0x5b: {  	_ =	shalt  }
0x5c: {  	_ =	shalt  }
0x5d: {  	_ =	shalt  }
0x5e: {  	_ =	shalt  }
0x5f: {  	_ =	shalt  }
0x60: {  	_ =	shalt  }
0x61: {  	_ =	shalt  }
0x62: {  	_ =	shalt  }
0x63: {  	_ =	shalt  }
0x64: {  	_ =	shalt  }
0x65: {  	_ =	shalt  }
0x66: {  	_ =	shalt  }
0x67: {  	_ =	shalt  }
0x68: {  	_ =	shalt  }
0x69: {  	_ =	shalt  }
0x6a: {  	_ =	shalt  }
0x6b: {  	_ =	shalt  }
0x6c: {  	_ =	shalt  }
0x6d: {  	_ =	shalt  }
0x6e: {  	_ =	shalt  }
0x6f: {  	_ =	shalt  }
0x70: {  	_ =	shalt  }
0x71: {  	_ =	shalt  }
0x72: {  	_ =	shalt  }
0x73: {  	_ =	shalt  }
0x74: {  	_ =	shalt  }
0x75: {  	_ =	shalt  }
0x76: {  	_ =	shalt  }
0x77: {  	_ =	shalt  }
0x78: {  	_ =	shalt  }
0x79: {  	_ =	shalt  }
0x7a: {  	_ =	shalt  }
0x7b: {  	_ =	shalt  }
0x7c: {  	_ =	shalt  }
0x7d: {  	_ =	shalt  }
0x7e: {  	_ =	shalt  }
0x7f: {  	_ =	shalt  }
0x80: {  	_ =	shalt  }
0x81: {  	_ =	shalt  }
0x82: {  	_ =	shalt  }
0x83: {  	_ =	shalt  }
0x84: {  	_ =	shalt  }
0x85: {  	_ =	shalt  }
0x86: {  	_ =	shalt  }
0x87: {  	_ =	shalt  }
.Lfunc_end0:
.L_simem_size_0:
called_computation.1_lowered:
.L_overlay_start_0:
0x88: {  	s2 =	sld [smem:$0x3FD9]  }
0x89: {  	s3 =	sld [smem:$0x3FFE];
	_ =	sdelay $0x1  }
0x8a: {  	s1 =	srdreg.scid  }
0x8b: {  	s0 =	sand.u32 $0x1, s1  }
0x8c: {  	s17 =	sshll.u32 s0, $0xA;
	s2 =	sadd.s32 s3, s2  }
0x8d: {  	s2 =	sadd.s32 s2, s17  }
0x8e: {  	[smem:$0x3FB8] =	sst s2  }
0x8f: {  	_ = 	snop  }
0x90: {  	s2 =	sld [smem:$0x3FC6];
	(tm) =	ssettm $0x1  }
0x91: {  	s18 =	sld [smem:$0x3FFB];
	_ =	sdelay $0x3  }
0x92: {  	_ =	strace s18  }
0x93: {  	s3 =	sld [smem:$0x3FFC];
	_ =	sdelay $0x3  }
0x94: {  	_ =	strace s3  }
0x95: {  	s3 =	sld [smem:$0x3FFD];
	_ =	sdelay $0x3  }
0x96: {  	_ =	strace s3  }
0x97: {  	_ =	strace $0x8FFFFFFF  }
0x98: {  	s19 =	sld [smem:$0x3FDB];
	_ =	sdelay $0x1  }
0x99: {  	s4 =	simm.s32 $_scs_section_size  }
0x9a: {  	s5 =	simm.s32 $_size__tile_overlayer_lowered;
	s6 =	simm.s32 $_tile_overlayer_lowered  }
0x9b: {  	s22 =	simm.s32 $0x1BFF;
	s21 =	sshll.u32 s6, $0x1;
	s3 =	sadd.s32 s4, s19  }
0x9c: {  	s7 =	simm.s32 $0x0;
	s20 =	sshll.u32 s5, $0x1;
	s5 =	sadd.s32 s21, s3  }
0x9d: {  	[timem:s7], [sflag:s22] =	dma.local [hbm:s5], s20  }
0x9e: {  	_ =	swait.ge [sflag:s22], s20  }
0x9f: {  	s4 =	ssub.s32 $0x0, s20;
	[sflag:s22] =	ssyncset.done $0x0  }
0xa0: {  	[sflag:s22] =	ssyncadd.s32 s4;
	_ =	sdelay $0x1  }
0xa1: {  	s23 =	simm.s32 $0x1B8B  }
0xa2: {  	_ =	swait.ge [sflag:s23], $0x1  }
0xa3: {  	[sflag:s23] =	ssyncset.done $0x0  }
0xa4: {  	s25 =	simm.s32 $0x1B8E;
	s24 =	sld [smem:$0x3FFE];
	[sflag:s23] =	ssyncadd.s32 $0xFFFFFFFF  }
0xa5: {  	s26 =	simm.s32 $execute0_lowered;
	[smem:$0x3FD2] =	sst s25  }
0xa6: {  	s5 =	sshll.u32 s26, $0x1;
	_ =	strace $0x80000049;
	[dreg:$0x1] =	wrdreg $0xFFFFFFFF  }
0xa7: {  	s28 =	simm.s32 $_size_execute0_lowered;
	s3 =	sadd.s32 s3, s5;
	[dreg:$0x0] =	wrdreg $0x0  }
0xa8: {  	s5 =	sshll.u32 s28, $0x1;
	[dreg:$0x2] =	wrdreg s3  }
0xa9: {  	[dreg:$0x3] =	wrdreg s5  }
0xaa: {  	[dreg:$0x4] =	wrdreg $0xC0  }
0xab: {  	_ =	task [dreg:s7], $0x5FFFF  }
0xac: {  	[dreg:$0x1] =	wrdreg $0xFFFFFFFF  }
0xad: {  	[dreg:$0x0] =	wrdreg $0x60  }
0xae: {  	[dreg:$0x2] =	wrdreg s24  }
0xaf: {  	[dreg:$0x3] =	wrdreg s2  }
0xb0: {  	[dreg:$0x4] =	wrdreg $0x81000  }
0xb1: {  	[dreg:$0x5] =	wrdreg $0x9  }
0xb2: {  	_ =	task.clear_ibuf [dreg:s7], $0x6FFFF;
	_ =	strace $0x90000049  }
0xb3: {  	s29 =	simm.s32 $0x9;
	_ =	strace $0x8000004B  }
0xb4: {  	_ =	swait.ge [sflag:s29], $0x1  }
0xb5: {  	[sflag:s29] =	ssyncadd.s32 $0xFFFFFFFF  }
0xb6: {  	_ =	strace $0x9000004B  }
0xb7: {  	_ =	sfence  }
0xb8: {  	s30 =	sld [smem:$0x0];
	_ =	sdelay $0x2  }
0xb9: {  	s31 =	sshll.u32 s1, $0xD;
	s1 =	sshrl.u32 s1, $0x2  }
0xba: {  	s3 =	sand.u32 $0x4000, s31;
	s1 =	sadd.s32 s1, s30  }
0xbb: {  	s0 =	sor.u32 s3, s0;
	s1 =	sshll.u32 s1, $0x11  }
0xbc: {  	s0 =	sor.u32 s1, s0  }
0xbd: {  	s0 =	sadd.s32 $0x8F2B, s0  }
0xbe: {  	[sflag:s0] =	ssyncadd.remote.s32 $0x1  }
0xbf: {  	_ =	sfence.sel $0xFFFF  }
0xc0: {  	[dreg:$0x0] =	wrdreg $0xFFFFFFFF;
	(pc) =	sbr.abs _section_cstart, $3  }
0xc1: {  	[dreg:$0x1] =	wrdreg $0xFFFFFFFF  }
0xc2: {  	_ =	task.clear_ibuf [dreg:s7], $0x2FFFF;
	_ =	strace $0x9FFFFFFF  }
0xc3: {  	(tm) =	ssettm $0x7FFFFFFF  }
tec
execute0_lowered:
.L_overlay_start_1:
0x0: {  	(tag) =	ssettag $0x1  }
0x1: {  	s4 =	rddreg [dreg:$0x0]  }
0x2: {  	s10 =	rddreg [dreg:$0x1]  }
0x3: {  	s2 =	rddreg [dreg:$0x2]  }
0x4: {  	s0 =	rddreg [dreg:$0x3]  }
0x5: {  	s1 =	stileid.u32;
	s5 =	srdreg.scid;
	s3 =	simm.s32 $0x0  }
0x6: {  	s18 =	simm.s32 $0x80;
	s19 =	simm.s32 $0x4100;
	s6 =	smul.u32 $0x13C00, s1  }
0x7: {  	s20 =	simm.s32 $0x3;
	s21 =	simm.s32 $0x4;
	s24 =	smul.u32 $0x4F000, s1  }
0x8: {  	s22 =	simm.s32 $0x0;
	s9 =	sand.u32 $0x1, s5;
	s13 =	smul.u32 $0x4E, s1  }
0x9: {  	[smem:$0x7FF] =	sst s3;
	s11 =	sadd.s32 $0xEAA200, s4;
	s5 =	smul.u32 $0x13C000, s9  }
0xa: {  	p0 =	seq.s32 s1, $0x0;
	s26 =	sshll.u32 s1, $0x6;
	s25 =	smul.u32 $0x4E2, s9  }
0xb: {  	_ =	strace $0x8000004A;
	s8 =	ssub.s32 $0x2, s9;
	s29 =	smul.u32 $0x4E20, s9  }
0xc: {  	s17 =	smul.u32 $0x271000, s9;
	s7 =	sshrl.u32 s6, $0x3;
	s12 =	sshrl.u32 s8, $0x1  }
0xd: {  	s5 =	sadd.s32 s6, s5;
	s7 =	sadd.s32 s7, s4;
	s6 =	sshrl.u32 s24, $0x2  }
0xe: {  	s8 =	ssub.s32 s8, s12;
	s12 =	sadd.s32 $0x2, s13;
	s17 =	sadd.s32 s17, s11  }
0xf: {  	s5 =	sshrl.u32 s5, $0x3;
	s15 =	sadd.s32 s6, s2;
	s12 =	simm.s32 @p0 $0x0  }
0x10: {  	s6 =	simm.s32 $0x27;
	s8 =	smax.u32 s8, $0x1;
	s14 =	sadd.s32 s5, s4  }
0x11: {  	s4 =	sadd.s32 $0x3800, s7;
	s5 =	sor.u32 $0x1C05, s26;
	s28 =	sadd.s32 s25, s12  }
0x12: {  	s6 =	simm.s32 @!p0 $0x26;
	s30 =	sshll.u32 s12, $0x4;
	s12 =	sshll.u32 s12, $0xB  }
0x13: {  	s7 =	sadd.s32 $0x2B000, s14;
	s16 =	sshll.u32 s28, $0x4;
	s13 =	sshll.u32 s28, $0xB  }
0x14: {  	s14 =	sadd.s32 s29, s10;
	s12 =	sadd.s32 s12, s17;
	s17 =	simm.s32 $0x2  }
0x15: {  	s9 =	sadd.s32 s10, s16;
	s10 =	sadd.s32 s11, s13;
	s31 =	sadd.s32 s30, s14  }
0x16: {  	s12 =	sadd.s32 $0x1000, s12;
	s13 =	sshrl.u32 s15, $0x3;
	s14 =	simm.s32 $0x5  }
0x17: {  	s15 =	simm.s32 $0x100;
	s16 =	simm.s32 $0x1;
	s11 =	sadd.s32 $0x20, s31  }
.LBB2_1:
0x18: {  	[spmem:s13], [sflag:s5] =	dma.local [hbm:s4], $0x2780  }
0x19: {  	_ =	swait.ge [sflag:s14], $0x2780  }
0x1a: {  	[sflag:s14] =	ssyncset.done $0x0  }
0x1b: {  	[sflag:s14] =	ssyncadd.s32 $0xFFFFD880  }
0x1c: {  	[bflag:$0x0] =	sbarrier.arrive $0xFFFF  }
0x1d: {  	[tilespmem:s3], [sflag:$0x1] =	stream.linear.gather [hbm4b:s9+s3], $0x100, $0x38;
	[tilespmem:$0x1BD00] =	vst v63  }
0x1e: {  	_ = 	snop  }
0x1f: {  	[tilespmem:s15], [sflag:$0x2] =	stream.linear.gather [hbm4b:s10+s3], $0x8000, $0x38;
	[tilespmem:$0x1BD00] =	vst v63  }
0x20: {  	_ =	swait.ge [sflag:s16], $0x100  }
0x21: {  	[sflag:s16] =	ssyncset.done $0x0  }
0x22: {  	[sflag:s16] =	ssyncadd.s32 $0xFFFFFF00  }
0x23: {  	_ =	swait.ge [sflag:s17], $0x8000  }
0x24: {  	[sflag:s17] =	ssyncset.done $0x0  }
0x25: {  	[sflag:s17] =	ssyncadd.s32 $0xFFFF8000  }
0x26: {  	[spmem:s2] =	stream.indirect.scatter.add.f32 [tilespmem:s15], [sflag:$0x3], $0x80, s3, s18, $0xb8;
	[tilespmem:$0x1BD00] =	vst v63  }
0x27: {  	_ = 	snop  }
0x28: {  	[spmem:s2] =	stream.indirect.scatter.add.f32 [tilespmem:s19], [sflag:$0x4], $0x80, s18, s18, $0xb8;
	[tilespmem:$0x1BD00] =	vst v63  }
0x29: {  	_ =	swait.ge [sflag:s20], $0x4000  }
0x2a: {  	[sflag:s20] =	ssyncset.done $0x0  }
0x2b: {  	[sflag:s20] =	ssyncadd.s32 $0xFFFFC000  }
0x2c: {  	_ =	swait.ge [sflag:s21], $0x4000  }
0x2d: {  	[sflag:s21] =	ssyncset.done $0x0  }
0x2e: {  	[sflag:s21] =	ssyncadd.s32 $0xFFFFC000  }
0x2f: {  	[tilespmem:s3], [sflag:$0x1] =	stream.linear.gather [hbm4b:s11+s3], $0x100, $0x38;
	[tilespmem:$0x1BD00] =	vst v63  }
0x30: {  	_ = 	snop  }
0x31: {  	[tilespmem:s15], [sflag:$0x2] =	stream.linear.gather [hbm4b:s12+s3], $0x8000, $0x38;
	[tilespmem:$0x1BD00] =	vst v63  }
0x32: {  	_ =	swait.ge [sflag:s16], $0x100  }
0x33: {  	p0 =	sne.s32 s6, $0x1;
	[sflag:s16] =	ssyncset.done $0x0  }
.Ltmp0:
0x34: {  	[sflag:s16] =	ssyncadd.s32 $0xFFFFFF00;
	(pc) =	sbr.rel @!p0 .LBB2_3-.Ltmp0, $4  }
0x35: {  	_ =	swait.ge [sflag:s17], $0x8000  }
0x36: {  	s23 =	sadd.s32 $0xFFFFFFFF, s6;
	[sflag:s17] =	ssyncset.done $0x0  }
0x37: {  	s24 =	sadd.s32 $0x20, s11;
	s25 =	sadd.s32 $0x1000, s12;
	[sflag:s17] =	ssyncadd.s32 $0xFFFF8000  }
0x38: {  	[spmem:s2] =	stream.indirect.scatter.add.f32 [tilespmem:s15], [sflag:$0x3], $0x80, s3, s18, $0xb8;
	[tilespmem:$0x1BD00] =	vst v63  }
.LBB2_2:
0x39: {  	[spmem:s2] =	stream.indirect.scatter.add.f32 [tilespmem:s19], [sflag:$0x4], $0x80, s18, s18, $0xb8;
	[tilespmem:$0x1BD00] =	vst v63  }
0x3a: {  	p0 =	sne.s32 s23, $0x1;
	s23 =	sadd.s32 $0xFFFFFFFF, s23;
	_ =	swait.ge [sflag:s20], $0x4000  }
0x3b: {  	[sflag:s20] =	ssyncset.done $0x0  }
0x3c: {  	[sflag:s20] =	ssyncadd.s32 $0xFFFFC000  }
0x3d: {  	_ =	swait.ge [sflag:s21], $0x4000  }
0x3e: {  	[sflag:s21] =	ssyncset.done $0x0  }
0x3f: {  	[sflag:s21] =	ssyncadd.s32 $0xFFFFC000  }
0x40: {  	[tilespmem:s3], [sflag:$0x1] =	stream.linear.gather [hbm4b:s24+s3], $0x100, $0x38;
	[tilespmem:$0x1BD00] =	vst v63  }
0x41: {  	_ = 	snop  }
0x42: {  	[tilespmem:s15], [sflag:$0x2] =	stream.linear.gather [hbm4b:s25+s3], $0x8000, $0x38;
	[tilespmem:$0x1BD00] =	vst v63  }
0x43: {  	_ =	swait.ge [sflag:s16], $0x100  }
0x44: {  	[sflag:s16] =	ssyncset.done $0x0  }
0x45: {  	[sflag:s16] =	ssyncadd.s32 $0xFFFFFF00  }
.Ltmp1:
0x46: {  	_ =	swait.ge [sflag:s17], $0x8000;
	(pc) =	sbr.rel @p0 .LBB2_2-.Ltmp1, $4  }
0x47: {  	[sflag:s17] =	ssyncset.done $0x0  }
0x48: {  	[sflag:s17] =	ssyncadd.s32 $0xFFFF8000  }
0x49: {  	[spmem:s2] =	stream.indirect.scatter.add.f32 [tilespmem:s15], [sflag:$0x3], $0x80, s3, s18, $0xb8;
	[tilespmem:$0x1BD00] =	vst v63  }
0x4a: {  	s24 =	sadd.s32 $0x20, s24;
	s25 =	sadd.s32 $0x1000, s25  }
.LBB2_3:
0x4b: {  	[spmem:s2] =	stream.indirect.scatter.add.f32 [tilespmem:s19], [sflag:$0x4], $0x80, s18, s18, $0xb8;
	[tilespmem:$0x1BD00] =	vst v63  }
0x4c: {  	_ =	swait.ge [sflag:s20], $0x4000  }
0x4d: {  	[sflag:s20] =	ssyncset.done $0x0  }
0x4e: {  	[sflag:s20] =	ssyncadd.s32 $0xFFFFC000  }
0x4f: {  	_ =	swait.ge [sflag:s21], $0x4000  }
0x50: {  	s22 =	sadd.s32 $0x1, s22;
	[sflag:s21] =	ssyncset.done $0x0  }
0x51: {  	p0 =	sne.s32 s22, s8;
	[sflag:s21] =	ssyncadd.s32 $0xFFFFC000  }
.Ltmp2:
0x52: {  	[bflag:$0x0] =	sbarrier.arrive $0xFFFF;
	(pc) =	sbr.rel @p0 .LBB2_1-.Ltmp2, $4  }
0x53: {  	[hbm:s7], [sflag:s5] =	dma.local [spmem:s13], $0x2780  }
0x54: {  	_ =	swait.ge [sflag:s14], $0x2780  }
0x55: {  	[sflag:s14] =	ssyncset.done $0x0  }
0x56: {  	[sflag:s14] =	ssyncadd.s32 $0xFFFFD880  }
0x57: {  	_ =	sfence.sel $0x180000  }
0x58: {  	[bflag:$0x0] =	sbarrier.arrive $0xFFFF  }
0x59: {  	p0 =	sne.s32 s1, $0x0;
	_ =	strace $0x9000004A  }
0x5a: {  	s0 =	sadd.s32 @!p0 $0x100000, s0;
	[bflag:$0x2] =	sbarrier.arrive $0xFFFF  }
0x5b: {  	[sflag:s0] =	ssyncadd.tile.s32 @!p0 $0x1;
	_ =	shalt  }
.Lfunc_end2:
_tile_overlayer_lowered:
.L_overlay_start_2:
0x5c: {  	(tag) =	ssettag $0x2  }
0x5d: {  	s0 =	rddreg [dreg:$0x0];
	s2 =	stileid.u32  }
0x5e: {  	s1 =	rddreg [dreg:$0x1];
	p0 =	sne.s32 s2, $0x0  }
0x5f: {  	s3 =	rddreg [dreg:$0x2];
	[bflag:$0x3] =	sbarrier.arrive $0xFFFF;
	s2 =	simm.s32 @!p0 $0x1C05  }
0x60: {  	[timem:s3], [sflag:s2] =	dma.local @!p0 [hbm:s0], s1  }
0x61: {  	s0 =	simm.s32 @!p0 $0x5  }
0x62: {  	_ =	swait.ge @!p0 [sflag:s0], s1  }
0x63: {  	s1 =	ssub.s32 @!p0 $0x0, s1;
	[sflag:s0] =	ssyncset.done @!p0 $0x0  }
0x64: {  	[sflag:s0] =	ssyncadd.s32 @!p0 s1  }
0x65: {  	[bflag:$0x3] =	sbarrier.arrive $0xFFFF  }
0x66: {  	_ =	shalt  }

// kernel: kernel.14.cloned.1.call-start
scs
__scs_entry_jumppad:
0x0: {  	(pc) =	sbr.rel $0x88, $3  }
0x1: {  	(tag) =	ssettag $0x0;
	lr =	simm.s32 $0x1  }
0x2: {  	[smem:$0x3F91] =	sst lr;
	_ =	strace $0xD0000000  }
0x3: {  	_ = 	snop  }
0x4: {  	_ = 	snop  }
0x5: {  	_ = 	snop  }
0x6: {  	_ = 	snop  }
0x7: {  	_ = 	snop  }
__scs_overlays_trampoline_lowered:
0x8: {  	[smem:$0x3FA0] =	sst s0  }
0x9: {  	[smem:$0x3FA1] =	sst s1  }
0xa: {  	[smem:$0x3FA2] =	sst s2  }
0xb: {  	[smem:$0x3FA3] =	sst s3  }
0xc: {  	[smem:$0x3FA4] =	sst s4  }
0xd: {  	[smem:$0x3FA5] =	sst s5  }
0xe: {  	[smem:$0x3FA6] =	sst s6  }
0xf: {  	[smem:$0x3FA7] =	sst s7  }
0x10: {  	[smem:$0x3FA8] =	sst s8  }
0x11: {  	[smem:$0x3FA9] =	sst s9;
	s0 =	simm.s32 @!p0 $0x0  }
0x12: {  	s1 =	sld [smem:$0x3F8F];
	s0 =	simm.s32 @p0 $0x1  }
0x13: {  	[smem:$0x3FAA] =	sst s0;
	s0 =	simm.s32 @!p1 $0x0  }
0x14: {  	s2 =	sld [smem:$0x3F8E];
	s0 =	simm.s32 @p1 $0x1  }
0x15: {  	[smem:$0x3FAB] =	sst s0;
	s0 =	simm.s32 @!p2 $0x0  }
0x16: {  	s3 =	sld [smem:$0x3FDB];
	s0 =	simm.s32 @p2 $0x1  }
0x17: {  	s4 =	simm.s32 $0x1BF5;
	[smem:$0x3FAD] =	sst s0  }
0x18: {  	s0 =	sld [smem:$0x3F90];
	_ =	swait.ge [sflag:s4], $0x0  }
0x19: {  	s7 =	sld [smem:$0x3F91]  }
0x1a: {  	s8 =	sadd.s32 $0xFFFFE003, lr  }
0x1b: {  	s9 =	sadd.s32 $0xFFFFFEF7, lr;
	s5 =	simm.s32 $0xFFFFFFFF;
	p2 =	slt.u32 s8, $0xFFFFF086  }
0x1c: {  	p1 =	slt.u32 s9, $0xF7A;
	s5 =	simm.s32 @!p2 $0x0  }
0x1d: {  	s5 =	simm.s32 @p1 $0x1;
	p0 =	seq.s32 s7, s2  }
0x1e: {  	s7 =	smul.u32 @!p0 $0xF7A, s2;
	p2 =	seq.s32 @!p0 s5, $0x0  }
0x1f: {  	s9 =	smul.u32 $0xF7A, s1;
	s8 =	simm.s32 @!p0 $0x1BF5;
	p2 =	por !p2, p0  }
0x20: {  	[sflag:s8] =	ssyncset.s32 @!p0 $0xFFFFF086;
	s6 =	sadd.s32 @!p0 s3, s7;
	s7 =	simm.s32 @!p0 $0x108  }
0x21: {  	s3 =	sadd.s32 s3, s9;
	s6 =	sadd.s32 @!p0 $0x88, s6;
	s7 =	simm.s32 @p2 $0x1082  }
0x22: {  	[simem:s7], [sflag:s8] =	dma.local @!p0 [hbm:s6], $0xF7A  }
0x23: {  	s9 =	sor.u32 $0xD0000000, s2;
	s6 =	simm.s32 $0x108;
	_ =	swait.ge @!p0 [sflag:s8], $0x0  }
0x24: {  	s3 =	sadd.s32 $0x88, s3;
	s6 =	simm.s32 @!p1 $0x1082;
	[sflag:s4] =	ssyncset.s32 $0xFFFFF086  }
0x25: {  	[simem:s6], [sflag:s4] =	dma.local [hbm:s3], $0xF7A  }
0x26: {  	[smem:$0x3F91] =	sst s1;
	(tag) =	ssettag s2;
	_ =	strace s9  }
0x27: {  	s1 =	sld [smem:$0x3FA1]  }
0x28: {  	s2 =	sld [smem:$0x3FA2]  }
0x29: {  	s4 =	sld [smem:$0x3FA4]  }
0x2a: {  	p0 =	seq.s32 s5, $0x0;
	s5 =	sld [smem:$0x3FA5]  }
0x2b: {  	s6 =	sld [smem:$0x3FA6]  }
0x2c: {  	s7 =	sld [smem:$0x3FA7]  }
0x2d: {  	s3 =	simm.s32 $0x108;
	s8 =	sld [smem:$0x3FA8]  }
0x2e: {  	s3 =	simm.s32 @!p0 $0x1082;
	s9 =	sld [smem:$0x3FA9]  }
0x2f: {  	lr =	sadd.s32 s0, s3;
	s0 =	sld [smem:$0x3FA0]  }
0x30: {  	s3 =	sld [smem:$0x3FA3]  }
0x31: {  	[smem:$0x3FAC] =	sst s10  }
0x32: {  	s10 =	sld [smem:$0x3FAA];
	_ =	sdelay $0x3  }
0x33: {  	p0 =	seq.s32 s10, $0x1;
	s10 =	sld [smem:$0x3FAC];
	_ =	sdelay $0x3  }
0x34: {  	[smem:$0x3FAC] =	sst s10  }
0x35: {  	s10 =	sld [smem:$0x3FAB];
	_ =	sdelay $0x3  }
0x36: {  	p1 =	seq.s32 s10, $0x1;
	s10 =	sld [smem:$0x3FAC];
	_ =	sdelay $0x3  }
0x37: {  	[smem:$0x3FAC] =	sst s10  }
0x38: {  	s10 =	sld [smem:$0x3FAD]  }
0x39: {  	_ = 	snop;
	(pc) =	sbr.ind lr, $3  }
0x3a: {  	_ = 	snop  }
0x3b: {  	_ = 	snop  }
0x3c: {  	p2 =	seq.s32 s10, $0x1;
	s10 =	sld [smem:$0x3FAC]  }
0x3d: {  	_ =	shalt  }
0x3e: {  	_ =	shalt  }
0x3f: {  	_ =	shalt  }
0x40: {  	_ =	shalt  }
0x41: {  	_ =	shalt  }
0x42: {  	_ =	shalt  }
0x43: {  	_ =	shalt  }
0x44: {  	_ =	shalt  }
0x45: {  	_ =	shalt  }
0x46: {  	_ =	shalt  }
0x47: {  	_ =	shalt  }
0x48: {  	_ =	shalt  }
0x49: {  	_ =	shalt  }
0x4a: {  	_ =	shalt  }
0x4b: {  	_ =	shalt  }
0x4c: {  	_ =	shalt  }
0x4d: {  	_ =	shalt  }
0x4e: {  	_ =	shalt  }
0x4f: {  	_ =	shalt  }
0x50: {  	_ =	shalt  }
0x51: {  	_ =	shalt  }
0x52: {  	_ =	shalt  }
0x53: {  	_ =	shalt  }
0x54: {  	_ =	shalt  }
0x55: {  	_ =	shalt  }
0x56: {  	_ =	shalt  }
0x57: {  	_ =	shalt  }
0x58: {  	_ =	shalt  }
0x59: {  	_ =	shalt  }
0x5a: {  	_ =	shalt  }
0x5b: {  	_ =	shalt  }
0x5c: {  	_ =	shalt  }
0x5d: {  	_ =	shalt  }
0x5e: {  	_ =	shalt  }
0x5f: {  	_ =	shalt  }
0x60: {  	_ =	shalt  }
0x61: {  	_ =	shalt  }
0x62: {  	_ =	shalt  }
0x63: {  	_ =	shalt  }
0x64: {  	_ =	shalt  }
0x65: {  	_ =	shalt  }
0x66: {  	_ =	shalt  }
0x67: {  	_ =	shalt  }
0x68: {  	_ =	shalt  }
0x69: {  	_ =	shalt  }
0x6a: {  	_ =	shalt  }
0x6b: {  	_ =	shalt  }
0x6c: {  	_ =	shalt  }
0x6d: {  	_ =	shalt  }
0x6e: {  	_ =	shalt  }
0x6f: {  	_ =	shalt  }
0x70: {  	_ =	shalt  }
0x71: {  	_ =	shalt  }
0x72: {  	_ =	shalt  }
0x73: {  	_ =	shalt  }
0x74: {  	_ =	shalt  }
0x75: {  	_ =	shalt  }
0x76: {  	_ =	shalt  }
0x77: {  	_ =	shalt  }
0x78: {  	_ =	shalt  }
0x79: {  	_ =	shalt  }
0x7a: {  	_ =	shalt  }
0x7b: {  	_ =	shalt  }
0x7c: {  	_ =	shalt  }
0x7d: {  	_ =	shalt  }
0x7e: {  	_ =	shalt  }
0x7f: {  	_ =	shalt  }
0x80: {  	_ =	shalt  }
0x81: {  	_ =	shalt  }
0x82: {  	_ =	shalt  }
0x83: {  	_ =	shalt  }
0x84: {  	_ =	shalt  }
0x85: {  	_ =	shalt  }
0x86: {  	_ =	shalt  }
0x87: {  	_ =	shalt  }
.Lfunc_end0:
.L_simem_size_0:
called_computation.2_lowered:
.L_overlay_start_0:
0x88: {  	s2 =	sld [smem:$0x3FD9]  }
0x89: {  	s3 =	sld [smem:$0x3FFE];
	_ =	sdelay $0x1  }
0x8a: {  	s1 =	srdreg.scid  }
0x8b: {  	s0 =	sand.u32 $0x1, s1  }
0x8c: {  	s17 =	sshll.u32 s0, $0xA;
	s2 =	sadd.s32 s3, s2  }
0x8d: {  	s2 =	sadd.s32 s2, s17  }
0x8e: {  	[smem:$0x3FB8] =	sst s2  }
0x8f: {  	_ = 	snop  }
0x90: {  	s18 =	sld [smem:$0x3FC6];
	(tm) =	ssettm $0x1  }
0x91: {  	s19 =	sld [smem:$0x3FFB];
	_ =	sdelay $0x3  }
0x92: {  	_ =	strace s19  }
0x93: {  	s2 =	sld [smem:$0x3FFC];
	_ =	sdelay $0x3  }
0x94: {  	_ =	strace s2  }
0x95: {  	s2 =	sld [smem:$0x3FFD];
	_ =	sdelay $0x3  }
0x96: {  	_ =	strace s2  }
0x97: {  	_ =	strace $0x8FFFFFFF  }
0x98: {  	s20 =	sld [smem:$0x3FDB];
	_ =	sdelay $0x1  }
0x99: {  	s4 =	simm.s32 $_scs_section_size  }
0x9a: {  	s5 =	simm.s32 $_size__tile_overlayer_lowered;
	s6 =	simm.s32 $_tile_overlayer_lowered  }
0x9b: {  	s7 =	simm.s32 $0x1BFF;
	s21 =	sshll.u32 s6, $0x1;
	s4 =	sadd.s32 s4, s20  }
0x9c: {  	s22 =	simm.s32 $0x0;
	s5 =	sshll.u32 s5, $0x1;
	s6 =	sadd.s32 s21, s4  }
0x9d: {  	[timem:s22], [sflag:s7] =	dma.local [hbm:s6], s5  }
0x9e: {  	_ =	swait.ge [sflag:s7], s5  }
0x9f: {  	s5 =	ssub.s32 $0x0, s5;
	[sflag:s7] =	ssyncset.done $0x0  }
0xa0: {  	[sflag:s7] =	ssyncadd.s32 s5;
	_ =	sdelay $0x1  }
0xa1: {  	s23 =	simm.s32 $0x1B8B  }
0xa2: {  	_ =	swait.ge [sflag:s23], $0x1  }
0xa3: {  	[sflag:s23] =	ssyncset.done $0x0  }
0xa4: {  	[sflag:s23] =	ssyncadd.s32 $0xFFFFFFFF  }
0xa5: {  	s5 =	sld [smem:$0x0]  }
0xa6: {  	s6 =	sand.u32 $0xFFFFFFFE, s1  }
0xa7: {  	p0 =	sne.s32 s1, s6  }
0xa8: {  	s6 =	sshll.u32 @p0 s6, $0xE  }
0xa9: {  	s6 =	sadd.s32 @p0 $0x11B8D, s6;
	s7 =	sshll.u32 @p0 s5, $0x11  }
0xaa: {  	s6 =	sor.u32 @p0 s7, s6  }
0xab: {  	[sflag:s6] =	ssyncadd.remote.s32 @p0 $0x1;
	_ =	sdelay $0x1  }
0xac: {  	s6 =	simm.s32 @p0 $0x1B8D  }
0xad: {  	_ =	swait.eq @p0 [sflag:s6], $0x1  }
0xae: {  	[sflag:s6] =	ssyncadd.s32 @p0 $0xFFFFFFFF  }
0xaf: {  	s7 =	sshll.u32 @!p0 s1, $0xE  }
0xb0: {  	s7 =	sor.u32 @!p0 $0x4000, s7;
	s6 =	simm.s32 @!p0 $0x1B8D  }
0xb1: {  	s5 =	sshll.u32 @!p0 s5, $0x11;
	s7 =	sadd.s32 @!p0 $0x11B8D, s7;
	_ =	swait.eq @!p0 [sflag:s6], $0x1  }
0xb2: {  	s5 =	sor.u32 @!p0 s5, s7;
	[sflag:s6] =	ssyncadd.s32 @!p0 $0xFFFFFFFF  }
0xb3: {  	s25 =	simm.s32 $0x1B8E;
	s24 =	sld [smem:$0x3FFE];
	[sflag:s5] =	ssyncadd.remote.s32 @!p0 $0x1  }
0xb4: {  	s26 =	simm.s32 $execute0_lowered;
	[smem:$0x3FD2] =	sst s25  }
0xb5: {  	s6 =	sshll.u32 s26, $0x1;
	_ =	strace $0x8000004C;
	[dreg:$0x1] =	wrdreg $0xFFFFFFFF  }
0xb6: {  	s28 =	simm.s32 $_size_execute0_lowered;
	s4 =	sadd.s32 s4, s6;
	[dreg:$0x0] =	wrdreg $0x0  }
0xb7: {  	s6 =	sshll.u32 s28, $0x1;
	[dreg:$0x2] =	wrdreg s4  }
0xb8: {  	[dreg:$0x3] =	wrdreg s6  }
0xb9: {  	[dreg:$0x4] =	wrdreg $0xC0  }
0xba: {  	_ =	task [dreg:s22], $0x5FFFF  }
0xbb: {  	[dreg:$0x1] =	wrdreg $0xFFFFFFFF  }
0xbc: {  	[dreg:$0x0] =	wrdreg $0x60  }
0xbd: {  	[dreg:$0x2] =	wrdreg s24  }
0xbe: {  	[dreg:$0x3] =	wrdreg s18  }
0xbf: {  	[dreg:$0x4] =	wrdreg $0x81000  }
0xc0: {  	[dreg:$0x5] =	wrdreg $0xA  }
0xc1: {  	_ =	task.clear_ibuf [dreg:s22], $0x6FFFF;
	_ =	strace $0x9000004C  }
0xc2: {  	s29 =	simm.s32 $0xA;
	_ =	strace $0x8000004E  }
0xc3: {  	_ =	swait.ge [sflag:s29], $0x1  }
0xc4: {  	[sflag:s29] =	ssyncadd.s32 $0xFFFFFFFF  }
0xc5: {  	_ =	strace $0x9000004E  }
0xc6: {  	_ =	sfence  }
0xc7: {  	s30 =	sld [smem:$0x0];
	_ =	sdelay $0x2  }
0xc8: {  	s31 =	sshll.u32 s1, $0xD;
	s1 =	sshrl.u32 s1, $0x2  }
0xc9: {  	s4 =	sand.u32 $0x4000, s31;
	s1 =	sadd.s32 s1, s30  }
0xca: {  	s0 =	sor.u32 s4, s0;
	s1 =	sshll.u32 s1, $0x11  }
0xcb: {  	s0 =	sor.u32 s1, s0  }
0xcc: {  	s0 =	sadd.s32 $0x8F2B, s0  }
0xcd: {  	[sflag:s0] =	ssyncadd.remote.s32 $0x1  }
0xce: {  	_ =	sfence.sel $0xFFFF  }
0xcf: {  	[dreg:$0x0] =	wrdreg $0xFFFFFFFF;
	(pc) =	sbr.abs _section_cstart, $3  }
0xd0: {  	[dreg:$0x1] =	wrdreg $0xFFFFFFFF  }
0xd1: {  	_ =	task.clear_ibuf [dreg:s22], $0x2FFFF;
	_ =	strace $0x9FFFFFFF  }
0xd2: {  	(tm) =	ssettm $0x7FFFFFFF  }
0xd3: {  	_ =	shalt  }
tec
execute0_lowered:
.L_overlay_start_1:
0x0: {  	(tag) =	ssettag $0x1  }
0x1: {  	s4 =	rddreg [dreg:$0x0]  }
0x2: {  	s10 =	rddreg [dreg:$0x1]  }
0x3: {  	s2 =	rddreg [dreg:$0x2]  }
0x4: {  	s0 =	rddreg [dreg:$0x3]  }
0x5: {  	s1 =	stileid.u32;
	s5 =	srdreg.scid;
	s3 =	simm.s32 $0x0  }
0x6: {  	s18 =	simm.s32 $0x80;
	s19 =	simm.s32 $0x4100;
	s6 =	smul.u32 $0x13C00, s1  }
0x7: {  	s20 =	simm.s32 $0x3;
	s21 =	simm.s32 $0x4;
	s24 =	smul.u32 $0x4F000, s1  }
0x8: {  	s22 =	simm.s32 $0x0;
	s9 =	sand.u32 $0x1, s5;
	s13 =	smul.u32 $0x4E, s1  }
0x9: {  	[smem:$0x7FF] =	sst s3;
	s11 =	sadd.s32 $0x138C200, s4;
	s5 =	smul.u32 $0x13C000, s9  }
0xa: {  	p0 =	seq.s32 s1, $0x0;
	s26 =	sshll.u32 s1, $0x6;
	s25 =	smul.u32 $0x4E2, s9  }
0xb: {  	_ =	strace $0x8000004D;
	s8 =	ssub.s32 $0x2, s9;
	s29 =	smul.u32 $0x4E20, s9  }
0xc: {  	s17 =	smul.u32 $0x271000, s9;
	s7 =	sshrl.u32 s6, $0x3;
	s12 =	sshrl.u32 s8, $0x1  }
0xd: {  	s5 =	sadd.s32 s6, s5;
	s7 =	sadd.s32 s7, s4;
	s6 =	sshrl.u32 s24, $0x2  }
0xe: {  	s8 =	ssub.s32 s8, s12;
	s12 =	sadd.s32 $0x2, s13;
	s17 =	sadd.s32 s17, s11  }
0xf: {  	s5 =	sshrl.u32 s5, $0x3;
	s15 =	sadd.s32 s6, s2;
	s12 =	simm.s32 @p0 $0x0  }
0x10: {  	s6 =	simm.s32 $0x27;
	s8 =	smax.u32 s8, $0x1;
	s14 =	sadd.s32 s5, s4  }
0x11: {  	s4 =	sadd.s32 $0x3800, s7;
	s5 =	sor.u32 $0x1C05, s26;
	s28 =	sadd.s32 s25, s12  }
0x12: {  	s6 =	simm.s32 @!p0 $0x26;
	s30 =	sshll.u32 s12, $0x4;
	s12 =	sshll.u32 s12, $0xB  }
0x13: {  	s7 =	sadd.s32 $0x7A000, s14;
	s16 =	sshll.u32 s28, $0x4;
	s13 =	sshll.u32 s28, $0xB  }
0x14: {  	s14 =	sadd.s32 s29, s10;
	s12 =	sadd.s32 s12, s17;
	s17 =	simm.s32 $0x2  }
0x15: {  	s9 =	sadd.s32 s10, s16;
	s10 =	sadd.s32 s11, s13;
	s31 =	sadd.s32 s30, s14  }
0x16: {  	s12 =	sadd.s32 $0x1000, s12;
	s13 =	sshrl.u32 s15, $0x3;
	s14 =	simm.s32 $0x5  }
0x17: {  	s15 =	simm.s32 $0x100;
	s16 =	simm.s32 $0x1;
	s11 =	sadd.s32 $0x20, s31  }
.LBB2_1:
0x18: {  	[spmem:s13], [sflag:s5] =	dma.local [hbm:s4], $0x2780  }
0x19: {  	_ =	swait.ge [sflag:s14], $0x2780  }
0x1a: {  	[sflag:s14] =	ssyncset.done $0x0  }
0x1b: {  	[sflag:s14] =	ssyncadd.s32 $0xFFFFD880  }
0x1c: {  	[bflag:$0x0] =	sbarrier.arrive $0xFFFF  }
0x1d: {  	[tilespmem:s3], [sflag:$0x1] =	stream.linear.gather [hbm4b:s9+s3], $0x100, $0x38;
	[tilespmem:$0x1BD00] =	vst v63  }
0x1e: {  	_ = 	snop  }
0x1f: {  	[tilespmem:s15], [sflag:$0x2] =	stream.linear.gather [hbm4b:s10+s3], $0x8000, $0x38;
	[tilespmem:$0x1BD00] =	vst v63  }
0x20: {  	_ =	swait.ge [sflag:s16], $0x100  }
0x21: {  	[sflag:s16] =	ssyncset.done $0x0  }
0x22: {  	[sflag:s16] =	ssyncadd.s32 $0xFFFFFF00  }
0x23: {  	_ =	swait.ge [sflag:s17], $0x8000  }
0x24: {  	[sflag:s17] =	ssyncset.done $0x0  }
0x25: {  	[sflag:s17] =	ssyncadd.s32 $0xFFFF8000  }
0x26: {  	[spmem:s2] =	stream.indirect.scatter.add.f32 [tilespmem:s15], [sflag:$0x3], $0x80, s3, s18, $0xb8;
	[tilespmem:$0x1BD00] =	vst v63  }
0x27: {  	_ = 	snop  }
0x28: {  	[spmem:s2] =	stream.indirect.scatter.add.f32 [tilespmem:s19], [sflag:$0x4], $0x80, s18, s18, $0xb8;
	[tilespmem:$0x1BD00] =	vst v63  }
0x29: {  	_ =	swait.ge [sflag:s20], $0x4000  }
0x2a: {  	[sflag:s20] =	ssyncset.done $0x0  }
0x2b: {  	[sflag:s20] =	ssyncadd.s32 $0xFFFFC000  }
0x2c: {  	_ =	swait.ge [sflag:s21], $0x4000  }
0x2d: {  	[sflag:s21] =	ssyncset.done $0x0  }
0x2e: {  	[sflag:s21] =	ssyncadd.s32 $0xFFFFC000  }
0x2f: {  	[tilespmem:s3], [sflag:$0x1] =	stream.linear.gather [hbm4b:s11+s3], $0x100, $0x38;
	[tilespmem:$0x1BD00] =	vst v63  }
0x30: {  	_ = 	snop  }
0x31: {  	[tilespmem:s15], [sflag:$0x2] =	stream.linear.gather [hbm4b:s12+s3], $0x8000, $0x38;
	[tilespmem:$0x1BD00] =	vst v63  }
0x32: {  	_ =	swait.ge [sflag:s16], $0x100  }
0x33: {  	p0 =	sne.s32 s6, $0x1;
	[sflag:s16] =	ssyncset.done $0x0  }
.Ltmp0:
0x34: {  	[sflag:s16] =	ssyncadd.s32 $0xFFFFFF00;
	(pc) =	sbr.rel @!p0 .LBB2_3-.Ltmp0, $4  }
0x35: {  	_ =	swait.ge [sflag:s17], $0x8000  }
0x36: {  	s23 =	sadd.s32 $0xFFFFFFFF, s6;
	[sflag:s17] =	ssyncset.done $0x0  }
0x37: {  	s24 =	sadd.s32 $0x20, s11;
	s25 =	sadd.s32 $0x1000, s12;
	[sflag:s17] =	ssyncadd.s32 $0xFFFF8000  }
0x38: {  	[spmem:s2] =	stream.indirect.scatter.add.f32 [tilespmem:s15], [sflag:$0x3], $0x80, s3, s18, $0xb8;
	[tilespmem:$0x1BD00] =	vst v63  }
.LBB2_2:
0x39: {  	[spmem:s2] =	stream.indirect.scatter.add.f32 [tilespmem:s19], [sflag:$0x4], $0x80, s18, s18, $0xb8;
	[tilespmem:$0x1BD00] =	vst v63  }
0x3a: {  	p0 =	sne.s32 s23, $0x1;
	s23 =	sadd.s32 $0xFFFFFFFF, s23;
	_ =	swait.ge [sflag:s20], $0x4000  }
0x3b: {  	[sflag:s20] =	ssyncset.done $0x0  }
0x3c: {  	[sflag:s20] =	ssyncadd.s32 $0xFFFFC000  }
0x3d: {  	_ =	swait.ge [sflag:s21], $0x4000  }
0x3e: {  	[sflag:s21] =	ssyncset.done $0x0  }
0x3f: {  	[sflag:s21] =	ssyncadd.s32 $0xFFFFC000  }
0x40: {  	[tilespmem:s3], [sflag:$0x1] =	stream.linear.gather [hbm4b:s24+s3], $0x100, $0x38;
	[tilespmem:$0x1BD00] =	vst v63  }
0x41: {  	_ = 	snop  }
0x42: {  	[tilespmem:s15], [sflag:$0x2] =	stream.linear.gather [hbm4b:s25+s3], $0x8000, $0x38;
	[tilespmem:$0x1BD00] =	vst v63  }
0x43: {  	_ =	swait.ge [sflag:s16], $0x100  }
0x44: {  	[sflag:s16] =	ssyncset.done $0x0  }
0x45: {  	[sflag:s16] =	ssyncadd.s32 $0xFFFFFF00  }
.Ltmp1:
0x46: {  	_ =	swait.ge [sflag:s17], $0x8000;
	(pc) =	sbr.rel @p0 .LBB2_2-.Ltmp1, $4  }
0x47: {  	[sflag:s17] =	ssyncset.done $0x0  }
0x48: {  	[sflag:s17] =	ssyncadd.s32 $0xFFFF8000  }
0x49: {  	[spmem:s2] =	stream.indirect.scatter.add.f32 [tilespmem:s15], [sflag:$0x3], $0x80, s3, s18, $0xb8;
	[tilespmem:$0x1BD00] =	vst v63  }
0x4a: {  	s24 =	sadd.s32 $0x20, s24;
	s25 =	sadd.s32 $0x1000, s25  }
.LBB2_3:
0x4b: {  	[spmem:s2] =	stream.indirect.scatter.add.f32 [tilespmem:s19], [sflag:$0x4], $0x80, s18, s18, $0xb8;
	[tilespmem:$0x1BD00] =	vst v63  }
0x4c: {  	_ =	swait.ge [sflag:s20], $0x4000  }
0x4d: {  	[sflag:s20] =	ssyncset.done $0x0  }
0x4e: {  	[sflag:s20] =	ssyncadd.s32 $0xFFFFC000  }
0x4f: {  	_ =	swait.ge [sflag:s21], $0x4000  }
0x50: {  	s22 =	sadd.s32 $0x1, s22;
	[sflag:s21] =	ssyncset.done $0x0  }
0x51: {  	p0 =	sne.s32 s22, s8;
	[sflag:s21] =	ssyncadd.s32 $0xFFFFC000  }
.Ltmp2:
0x52: {  	[bflag:$0x0] =	sbarrier.arrive $0xFFFF;
	(pc) =	sbr.rel @p0 .LBB2_1-.Ltmp2, $4  }
0x53: {  	[hbm:s7], [sflag:s5] =	dma.local [spmem:s13], $0x2780  }
0x54: {  	_ =	swait.ge [sflag:s14], $0x2780  }
0x55: {  	[sflag:s14] =	ssyncset.done $0x0  }
0x56: {  	[sflag:s14] =	ssyncadd.s32 $0xFFFFD880  }
0x57: {  	_ =	sfence.sel $0x180000  }
0x58: {  	[bflag:$0x0] =	sbarrier.arrive $0xFFFF  }
0x59: {  	p0 =	sne.s32 s1, $0x0;
	_ =	strace $0x9000004D  }
0x5a: {  	s0 =	sadd.s32 @!p0 $0x100000, s0;
	[bflag:$0x2] =	sbarrier.arrive $0xFFFF  }
0x5b: {  	[sflag:s0] =	ssyncadd.tile.s32 @!p0 $0x1;
	_ =	shalt  }
.Lfunc_end2:
_tile_overlayer_lowered:
.L_overlay_start_2:
0x5c: {  	(tag) =	ssettag $0x2  }
0x5d: {  	s0 =	rddreg [dreg:$0x0];
	s2 =	stileid.u32  }
0x5e: {  	s1 =	rddreg [dreg:$0x1];
	p0 =	sne.s32 s2, $0x0  }
0x5f: {  	s3 =	rddreg [dreg:$0x2];
	[bflag:$0x3] =	sbarrier.arrive $0xFFFF;
	s2 =	simm.s32 @!p0 $0x1C05  }
0x60: {  	[timem:s3], [sflag:s2] =	dma.local @!p0 [hbm:s0], s1  }
0x61: {  	s0 =	simm.s32 @!p0 $0x5  }
0x62: {  	_ =	swait.ge @!p0 [sflag:s0], s1  }
0x63: {  	s1 =	ssub.s32 @!p0 $0x0, s1;
	[sflag:s0] =	ssyncset.done @!p0 $0x0  }
0x64: {  	[sflag:s0] =	ssyncadd.s32 @!p0 s1  }
0x65: {  	[bflag:$0x3] =	sbarrier.arrive $0xFFFF  }
0x66: {  	_ =	shalt  }

// kernel: kernel.8.cloned.1.call-start
scs
__scs_entry_jumppad:
0x0: {  	(pc) =	sbr.rel $0x88, $3  }
0x1: {  	(tag) =	ssettag $0x0;
	lr =	simm.s32 $0x1  }
0x2: {  	[smem:$0x3F91] =	sst lr;
	_ =	strace $0xD0000000  }
0x3: {  	_ = 	snop  }
0x4: {  	_ = 	snop  }
0x5: {  	_ = 	snop  }
0x6: {  	_ = 	snop  }
0x7: {  	_ = 	snop  }
__scs_overlays_trampoline_lowered:
0x8: {  	[smem:$0x3FA0] =	sst s0  }
0x9: {  	[smem:$0x3FA1] =	sst s1  }
0xa: {  	[smem:$0x3FA2] =	sst s2  }
0xb: {  	[smem:$0x3FA3] =	sst s3  }
0xc: {  	[smem:$0x3FA4] =	sst s4  }
0xd: {  	[smem:$0x3FA5] =	sst s5  }
0xe: {  	[smem:$0x3FA6] =	sst s6  }
0xf: {  	[smem:$0x3FA7] =	sst s7  }
0x10: {  	[smem:$0x3FA8] =	sst s8  }
0x11: {  	[smem:$0x3FA9] =	sst s9;
	s0 =	simm.s32 @!p0 $0x0  }
0x12: {  	s1 =	sld [smem:$0x3F8F];
	s0 =	simm.s32 @p0 $0x1  }
0x13: {  	[smem:$0x3FAA] =	sst s0;
	s0 =	simm.s32 @!p1 $0x0  }
0x14: {  	s2 =	sld [smem:$0x3F8E];
	s0 =	simm.s32 @p1 $0x1  }
0x15: {  	[smem:$0x3FAB] =	sst s0;
	s0 =	simm.s32 @!p2 $0x0  }
0x16: {  	s3 =	sld [smem:$0x3FDB];
	s0 =	simm.s32 @p2 $0x1  }
0x17: {  	s4 =	simm.s32 $0x1BF5;
	[smem:$0x3FAD] =	sst s0  }
0x18: {  	s0 =	sld [smem:$0x3F90];
	_ =	swait.ge [sflag:s4], $0x0  }
0x19: {  	s7 =	sld [smem:$0x3F91]  }
0x1a: {  	s8 =	sadd.s32 $0xFFFFE003, lr  }
0x1b: {  	s9 =	sadd.s32 $0xFFFFFEF7, lr;
	s5 =	simm.s32 $0xFFFFFFFF;
	p2 =	slt.u32 s8, $0xFFFFF086  }
0x1c: {  	p1 =	slt.u32 s9, $0xF7A;
	s5 =	simm.s32 @!p2 $0x0  }
0x1d: {  	s5 =	simm.s32 @p1 $0x1;
	p0 =	seq.s32 s7, s2  }
0x1e: {  	s7 =	smul.u32 @!p0 $0xF7A, s2;
	p2 =	seq.s32 @!p0 s5, $0x0  }
0x1f: {  	s9 =	smul.u32 $0xF7A, s1;
	s8 =	simm.s32 @!p0 $0x1BF5;
	p2 =	por !p2, p0  }
0x20: {  	[sflag:s8] =	ssyncset.s32 @!p0 $0xFFFFF086;
	s6 =	sadd.s32 @!p0 s3, s7;
	s7 =	simm.s32 @!p0 $0x108  }
0x21: {  	s3 =	sadd.s32 s3, s9;
	s6 =	sadd.s32 @!p0 $0x88, s6;
	s7 =	simm.s32 @p2 $0x1082  }
0x22: {  	[simem:s7], [sflag:s8] =	dma.local @!p0 [hbm:s6], $0xF7A  }
0x23: {  	s9 =	sor.u32 $0xD0000000, s2;
	s6 =	simm.s32 $0x108;
	_ =	swait.ge @!p0 [sflag:s8], $0x0  }
0x24: {  	s3 =	sadd.s32 $0x88, s3;
	s6 =	simm.s32 @!p1 $0x1082;
	[sflag:s4] =	ssyncset.s32 $0xFFFFF086  }
0x25: {  	[simem:s6], [sflag:s4] =	dma.local [hbm:s3], $0xF7A  }
0x26: {  	[smem:$0x3F91] =	sst s1;
	(tag) =	ssettag s2;
	_ =	strace s9  }
0x27: {  	s1 =	sld [smem:$0x3FA1]  }
0x28: {  	s2 =	sld [smem:$0x3FA2]  }
0x29: {  	s4 =	sld [smem:$0x3FA4]  }
0x2a: {  	p0 =	seq.s32 s5, $0x0;
	s5 =	sld [smem:$0x3FA5]  }
0x2b: {  	s6 =	sld [smem:$0x3FA6]  }
0x2c: {  	s7 =	sld [smem:$0x3FA7]  }
0x2d: {  	s3 =	simm.s32 $0x108;
	s8 =	sld [smem:$0x3FA8]  }
0x2e: {  	s3 =	simm.s32 @!p0 $0x1082;
	s9 =	sld [smem:$0x3FA9]  }
0x2f: {  	lr =	sadd.s32 s0, s3;
	s0 =	sld [smem:$0x3FA0]  }
0x30: {  	s3 =	sld [smem:$0x3FA3]  }
0x31: {  	[smem:$0x3FAC] =	sst s10  }
0x32: {  	s10 =	sld [smem:$0x3FAA];
	_ =	sdelay $0x3  }
0x33: {  	p0 =	seq.s32 s10, $0x1;
	s10 =	sld [smem:$0x3FAC];
	_ =	sdelay $0x3  }
0x34: {  	[smem:$0x3FAC] =	sst s10  }
0x35: {  	s10 =	sld [smem:$0x3FAB];
	_ =	sdelay $0x3  }
0x36: {  	p1 =	seq.s32 s10, $0x1;
	s10 =	sld [smem:$0x3FAC];
	_ =	sdelay $0x3  }
0x37: {  	[smem:$0x3FAC] =	sst s10  }
0x38: {  	s10 =	sld [smem:$0x3FAD]  }
0x39: {  	_ = 	snop;
	(pc) =	sbr.ind lr, $3  }
0x3a: {  	_ = 	snop  }
0x3b: {  	_ = 	snop  }
0x3c: {  	p2 =	seq.s32 s10, $0x1;
	s10 =	sld [smem:$0x3FAC]  }
0x3d: {  	_ =	shalt  }
0x3e: {  	_ =	shalt  }
0x3f: {  	_ =	shalt  }
0x40: {  	_ =	shalt  }
0x41: {  	_ =	shalt  }
0x42: {  	_ =	shalt  }
0x43: {  	_ =	shalt  }
0x44: {  	_ =	shalt  }
0x45: {  	_ =	shalt  }
0x46: {  	_ =	shalt  }
0x47: {  	_ =	shalt  }
0x48: {  	_ =	shalt  }
0x49: {  	_ =	shalt  }
0x4a: {  	_ =	shalt  }
0x4b: {  	_ =	shalt  }
0x4c: {  	_ =	shalt  }
0x4d: {  	_ =	shalt  }
0x4e: {  	_ =	shalt  }
0x4f: {  	_ =	shalt  }
0x50: {  	_ =	shalt  }
0x51: {  	_ =	shalt  }
0x52: {  	_ =	shalt  }
0x53: {  	_ =	shalt  }
0x54: {  	_ =	shalt  }
0x55: {  	_ =	shalt  }
0x56: {  	_ =	shalt  }
0x57: {  	_ =	shalt  }
0x58: {  	_ =	shalt  }
0x59: {  	_ =	shalt  }
0x5a: {  	_ =	shalt  }
0x5b: {  	_ =	shalt  }
0x5c: {  	_ =	shalt  }
0x5d: {  	_ =	shalt  }
0x5e: {  	_ =	shalt  }
0x5f: {  	_ =	shalt  }
0x60: {  	_ =	shalt  }
0x61: {  	_ =	shalt  }
0x62: {  	_ =	shalt  }
0x63: {  	_ =	shalt  }
0x64: {  	_ =	shalt  }
0x65: {  	_ =	shalt  }
0x66: {  	_ =	shalt  }
0x67: {  	_ =	shalt  }
0x68: {  	_ =	shalt  }
0x69: {  	_ =	shalt  }
0x6a: {  	_ =	shalt  }
0x6b: {  	_ =	shalt  }
0x6c: {  	_ =	shalt  }
0x6d: {  	_ =	shalt  }
0x6e: {  	_ =	shalt  }
0x6f: {  	_ =	shalt  }
0x70: {  	_ =	shalt  }
0x71: {  	_ =	shalt  }
0x72: {  	_ =	shalt  }
0x73: {  	_ =	shalt  }
0x74: {  	_ =	shalt  }
0x75: {  	_ =	shalt  }
0x76: {  	_ =	shalt  }
0x77: {  	_ =	shalt  }
0x78: {  	_ =	shalt  }
0x79: {  	_ =	shalt  }
0x7a: {  	_ =	shalt  }
0x7b: {  	_ =	shalt  }
0x7c: {  	_ =	shalt  }
0x7d: {  	_ =	shalt  }
0x7e: {  	_ =	shalt  }
0x7f: {  	_ =	shalt  }
0x80: {  	_ =	shalt  }
0x81: {  	_ =	shalt  }
0x82: {  	_ =	shalt  }
0x83: {  	_ =	shalt  }
0x84: {  	_ =	shalt  }
0x85: {  	_ =	shalt  }
0x86: {  	_ =	shalt  }
0x87: {  	_ =	shalt  }
.Lfunc_end0:
.L_simem_size_0:
called_computation_lowered:
.L_overlay_start_0:
0x88: {  	s2 =	sld [smem:$0x3FD9]  }
0x89: {  	s3 =	sld [smem:$0x3FFE];
	_ =	sdelay $0x1  }
0x8a: {  	s1 =	srdreg.scid  }
0x8b: {  	s0 =	sand.u32 $0x1, s1  }
0x8c: {  	s17 =	sshll.u32 s0, $0xA;
	s2 =	sadd.s32 s3, s2  }
0x8d: {  	s2 =	sadd.s32 s2, s17  }
0x8e: {  	[smem:$0x3FB8] =	sst s2  }
0x8f: {  	_ = 	snop  }
0x90: {  	s2 =	sld [smem:$0x3FC6]  }
0x91: {  	s18 =	sld [smem:$0x3FD0];
	(tm) =	ssettm $0x1  }
0x92: {  	s4 =	sld [smem:$0x3FFB];
	_ =	sdelay $0x3  }
0x93: {  	_ =	strace s4  }
0x94: {  	s4 =	sld [smem:$0x3FFC];
	_ =	sdelay $0x3  }
0x95: {  	_ =	strace s4  }
0x96: {  	s4 =	sld [smem:$0x3FFD];
	_ =	sdelay $0x3  }
0x97: {  	_ =	strace s4  }
0x98: {  	_ =	strace $0x8FFFFFFF  }
0x99: {  	s19 =	sld [smem:$0x3FDB];
	_ =	sdelay $0x1  }
0x9a: {  	s5 =	simm.s32 $_scs_section_size  }
0x9b: {  	s6 =	simm.s32 $_size__tile_overlayer_lowered;
	s7 =	simm.s32 $_tile_overlayer_lowered  }
0x9c: {  	s22 =	simm.s32 $0x1BFF;
	s21 =	sshll.u32 s7, $0x1;
	s4 =	sadd.s32 s5, s19  }
0x9d: {  	s8 =	simm.s32 $0x0;
	s20 =	sshll.u32 s6, $0x1;
	s6 =	sadd.s32 s21, s4  }
0x9e: {  	[timem:s8], [sflag:s22] =	dma.local [hbm:s6], s20  }
0x9f: {  	_ =	swait.ge [sflag:s22], s20  }
0xa0: {  	s5 =	ssub.s32 $0x0, s20;
	[sflag:s22] =	ssyncset.done $0x0  }
0xa1: {  	[sflag:s22] =	ssyncadd.s32 s5;
	_ =	sdelay $0x1  }
0xa2: {  	s23 =	simm.s32 $0x1B8B  }
0xa3: {  	_ =	swait.ge [sflag:s23], $0x1  }
0xa4: {  	[sflag:s23] =	ssyncset.done $0x0  }
0xa5: {  	s25 =	simm.s32 $0x1B8E;
	s24 =	sld [smem:$0x3FFE];
	[sflag:s23] =	ssyncadd.s32 $0xFFFFFFFF  }
0xa6: {  	s26 =	simm.s32 $execute0_lowered;
	[smem:$0x3FD2] =	sst s25  }
0xa7: {  	s6 =	sshll.u32 s26, $0x1;
	_ =	strace $0x80000046;
	[dreg:$0x1] =	wrdreg $0xFFFFFFFF  }
0xa8: {  	s28 =	simm.s32 $_size_execute0_lowered;
	s4 =	sadd.s32 s4, s6;
	[dreg:$0x0] =	wrdreg $0x0  }
0xa9: {  	s6 =	sshll.u32 s28, $0x1;
	[dreg:$0x2] =	wrdreg s4  }
0xaa: {  	[dreg:$0x3] =	wrdreg s6  }
0xab: {  	[dreg:$0x4] =	wrdreg $0xC0  }
0xac: {  	_ =	task [dreg:s8], $0x5FFFF  }
0xad: {  	[dreg:$0x1] =	wrdreg $0xFFFFFFFF  }
0xae: {  	[dreg:$0x0] =	wrdreg $0x60  }
0xaf: {  	[dreg:$0x2] =	wrdreg s18  }
0xb0: {  	[dreg:$0x3] =	wrdreg s2  }
0xb1: {  	[dreg:$0x4] =	wrdreg s24  }
0xb2: {  	[dreg:$0x5] =	wrdreg $0x9  }
0xb3: {  	_ =	task.clear_ibuf [dreg:s8], $0x6FFFF;
	_ =	strace $0x90000046  }
0xb4: {  	s29 =	simm.s32 $0x9;
	_ =	strace $0x80000048  }
0xb5: {  	_ =	swait.ge [sflag:s29], $0x1  }
0xb6: {  	[sflag:s29] =	ssyncadd.s32 $0xFFFFFFFF  }
0xb7: {  	_ =	strace $0x90000048  }
0xb8: {  	_ =	sfence  }
0xb9: {  	s30 =	sld [smem:$0x0];
	_ =	sdelay $0x2  }
0xba: {  	s31 =	sshll.u32 s1, $0xD;
	s1 =	sshrl.u32 s1, $0x2  }
0xbb: {  	s3 =	sand.u32 $0x4000, s31;
	s1 =	sadd.s32 s1, s30  }
0xbc: {  	s0 =	sor.u32 s3, s0;
	s1 =	sshll.u32 s1, $0x11  }
0xbd: {  	s0 =	sor.u32 s1, s0  }
0xbe: {  	s0 =	sadd.s32 $0x8F2B, s0  }
0xbf: {  	[sflag:s0] =	ssyncadd.remote.s32 $0x1  }
0xc0: {  	_ =	sfence.sel $0xFFFF  }
0xc1: {  	[dreg:$0x0] =	wrdreg $0xFFFFFFFF;
	(pc) =	sbr.abs _section_cstart, $3  }
0xc2: {  	[dreg:$0x1] =	wrdreg $0xFFFFFFFF  }
0xc3: {  	_ =	task.clear_ibuf [dreg:s8], $0x2FFFF;
	_ =	strace $0x9FFFFFFF  }
0xc4: {  	(tm) =	ssettm $0x7FFFFFFF  }
0xc5: {  	_ =	shalt  }
tec
execute0_lowered:
.L_overlay_start_1:
0x0: {  	(tag) =	ssettag $0x1  }
0x1: {  	s1 =	rddreg [dreg:$0x0]  }
0x2: {  	s2 =	srdreg.scid;
	s7 =	rddreg [dreg:$0x1]  }
0x3: {  	s0 =	stileid.u32;
	s6 =	rddreg [dreg:$0x2];
	s11 =	simm.s32 $0x1  }
0x4: {  	s12 =	simm.s32 $0x80;
	s13 =	simm.s32 $0x2880;
	s14 =	simm.s32 $0x2980  }
0x5: {  	s15 =	simm.s32 $0x2900;
	s5 =	sand.u32 $0x1, s2;
	s30 =	sshll.u32 s0, $0x1  }
0x6: {  	s16 =	simm.s32 $0x6980;
	s17 =	simm.s32 $0x2;
	s3 =	sor.u32 s5, s30  }
0x7: {  	s18 =	simm.s32 $0x3;
	s19 =	simm.s32 $0x4;
	s4 =	smul.u32 $0x4E, s3  }
0x8: {  	s20 =	simm.s32 $0x0;
	s2 =	rddreg [dreg:$0x3];
	s8 =	smul.u32 $0x50, s3  }
0x9: {  	p0 =	seq.s32 s0, $0x0;
	s10 =	ssub.s32 $0x2, s5;
	s4 =	sadd.s32 $0x4, s4  }
0xa: {  	s5 =	simm.s32 $0x28000;
	s3 =	simm.s32 $0x0;
	s4 =	smov.u32 @p0 s8  }
0xb: {  	s31 =	sshrl.u32 s10, $0x1;
	[smem:$0x7FF] =	sst s3;
	s8 =	sshrl.u32 s4, $0x1  }
0xc: {  	s5 =	simm.s32 @!p0 $0x27000;
	_ =	strace $0x80000047;
	s9 =	sshll.u32 s8, $0xC  }
0xd: {  	s4 =	sadd.s32 $0x3C00, s6;
	s8 =	sshll.u32 s8, $0x5;
	s9 =	sadd.s32 s9, s6  }
0xe: {  	s6 =	ssub.s32 s10, s31;
	s7 =	sadd.s32 s8, s7;
	s10 =	simm.s32 $0x2780  }
0xf: {  	s6 =	smax.u32 s6, $0x1;
	s8 =	sadd.s32 $0x4200, s9;
	s9 =	simm.s32 $0x5  }
.LBB2_1:
0x10: {  	[tilespmem:s3], [sflag:$0x5] =	stream.linear.gather [hbm4b:s4+s3], $0x2780, $0x38;
	[tilespmem:$0xA980] =	vst v63  }
0x11: {  	_ =	swait.ge [sflag:s9], $0x2780  }
0x12: {  	[sflag:s9] =	ssyncset.done $0x0  }
0x13: {  	[sflag:s9] =	ssyncadd.s32 $0xFFFFD880  }
0x14: {  	[tilespmem:s10], [sflag:$0x1] =	stream.linear.gather [hbm4b:s7+s3], $0x100, $0x38;
	[tilespmem:$0xA980] =	vst v63  }
0x15: {  	_ =	swait.ge [sflag:s11], $0x100  }
0x16: {  	[sflag:s11] =	ssyncset.done $0x0  }
0x17: {  	[sflag:s11] =	ssyncadd.s32 $0xFFFFFF00  }
0x18: {  	v0 =	vld [tilespmem:$0x2780];
	_ =	sdelay $0x5  }
0x19: {  	v1 =	vld [tilespmem:$0x2790];
	_ =	sdelay $0x1  }
0x1a: {  	v0 =	vld.idx.msk [tilespmem:v0+s3+$0x0], $0xffff;
	_ =	sdelay $0x3  }
0x1b: {  	v2 =	vld [tilespmem:$0x27A0]  }
0x1c: {  	[tilespmem:$0x2880] =	vst v0  }
0x1d: {  	v0 =	vld.idx.msk [tilespmem:v1+s3+$0x0], $0xffff;
	_ =	sdelay $0x3  }
0x1e: {  	v51 =	vld [tilespmem:$0x27B0]  }
0x1f: {  	[tilespmem:$0x2890] =	vst v0  }
0x20: {  	v0 =	vld.idx.msk [tilespmem:v2+s3+$0x0], $0xffff;
	_ =	sdelay $0x3  }
0x21: {  	v52 =	vld [tilespmem:$0x27C0]  }
0x22: {  	[tilespmem:$0x28A0] =	vst v0  }
0x23: {  	v0 =	vld.idx.msk [tilespmem:v51+s3+$0x0], $0xffff;
	_ =	sdelay $0x3  }
0x24: {  	v53 =	vld [tilespmem:$0x27D0]  }
0x25: {  	[tilespmem:$0x28B0] =	vst v0  }
0x26: {  	v0 =	vld.idx.msk [tilespmem:v52+s3+$0x0], $0xffff;
	_ =	sdelay $0x3  }
0x27: {  	v54 =	vld [tilespmem:$0x27E0]  }
0x28: {  	[tilespmem:$0x28C0] =	vst v0  }
0x29: {  	v0 =	vld.idx.msk [tilespmem:v53+s3+$0x0], $0xffff;
	_ =	sdelay $0x3  }
0x2a: {  	v55 =	vld [tilespmem:$0x27F0]  }
0x2b: {  	[tilespmem:$0x28D0] =	vst v0  }
0x2c: {  	v0 =	vld.idx.msk [tilespmem:v54+s3+$0x0], $0xffff;
	_ =	sdelay $0x3  }
0x2d: {  	v56 =	vld [tilespmem:$0x2800]  }
0x2e: {  	[tilespmem:$0x28E0] =	vst v0  }
0x2f: {  	v0 =	vld.idx.msk [tilespmem:v55+s3+$0x0], $0xffff;
	_ =	sdelay $0x3  }
0x30: {  	v57 =	vld [tilespmem:$0x2810]  }
0x31: {  	[tilespmem:$0x28F0] =	vst v0  }
0x32: {  	v0 =	vld.idx.msk [tilespmem:v56+s3+$0x0], $0xffff;
	_ =	sdelay $0x3  }
0x33: {  	v58 =	vld [tilespmem:$0x2820]  }
0x34: {  	[tilespmem:$0x2900] =	vst v0  }
0x35: {  	v0 =	vld.idx.msk [tilespmem:v57+s3+$0x0], $0xffff;
	_ =	sdelay $0x3  }
0x36: {  	v59 =	vld [tilespmem:$0x2830]  }
0x37: {  	[tilespmem:$0x2910] =	vst v0  }
0x38: {  	v0 =	vld.idx.msk [tilespmem:v58+s3+$0x0], $0xffff;
	_ =	sdelay $0x3  }
0x39: {  	v60 =	vld [tilespmem:$0x2840]  }
0x3a: {  	[tilespmem:$0x2920] =	vst v0  }
0x3b: {  	v0 =	vld.idx.msk [tilespmem:v59+s3+$0x0], $0xffff;
	_ =	sdelay $0x3  }
0x3c: {  	v61 =	vld [tilespmem:$0x2850]  }
0x3d: {  	[tilespmem:$0x2930] =	vst v0  }
0x3e: {  	v0 =	vld.idx.msk [tilespmem:v60+s3+$0x0], $0xffff;
	_ =	sdelay $0x3  }
0x3f: {  	v62 =	vld [tilespmem:$0x2860]  }
0x40: {  	[tilespmem:$0x2940] =	vst v0  }
0x41: {  	v0 =	vld.idx.msk [tilespmem:v61+s3+$0x0], $0xffff;
	_ =	sdelay $0x3  }
0x42: {  	v63 =	vld [tilespmem:$0x2870]  }
0x43: {  	[tilespmem:$0x2950] =	vst v0  }
0x44: {  	v0 =	vld.idx.msk [tilespmem:v62+s3+$0x0], $0xffff;
	_ =	sdelay $0x4  }
0x45: {  	[tilespmem:$0x2960] =	vst v0  }
0x46: {  	v0 =	vld.idx.msk [tilespmem:v63+s3+$0x0], $0xffff;
	_ =	sdelay $0x3  }
0x47: {  	p0 =	por $0x1, $0x1  }
0x48: {  	s21 =	simm.s32 @!p0 $0x4;
	[tilespmem:$0x2970] =	vst v0  }
0x49: {  	_ =	swait.ge @!p0 [sflag:s21], $0x8000  }
0x4a: {  	[sflag:s21] =	ssyncset.done @!p0 $0x0  }
0x4b: {  	[sflag:s21] =	ssyncadd.s32 @!p0 $0xFFFF8000  }
0x4c: {  	[tilespmem:s14], [sflag:$0x2] =	stream.indirect.gather [hbm4b:s1+s12], $0x80, s13, s12, $0xb8;
	[tilespmem:$0xA980] =	vst v63  }
0x4d: {  	_ = 	snop  }
0x4e: {  	[tilespmem:s16], [sflag:$0x3] =	stream.indirect.gather [hbm4b:s1+s12], $0x80, s15, s12, $0xb8;
	[tilespmem:$0xA980] =	vst v63  }
0x4f: {  	p0 =	sne.s32 s5, $0x1000;
	_ =	swait.ge [sflag:s17], $0x4000  }
.Ltmp0:
0x50: {  	[sflag:s17] =	ssyncset.done $0x0;
	(pc) =	sbr.rel @!p0 .LBB2_3-.Ltmp0, $4  }
0x51: {  	[sflag:s17] =	ssyncadd.s32 $0xFFFFC000  }
0x52: {  	_ =	swait.ge [sflag:s18], $0x4000  }
0x53: {  	s23 =	sadd.s32 $0x0, s8;
	[sflag:s18] =	ssyncset.done $0x0  }
0x54: {  	s22 =	sadd.s32 $0x20, s7;
	s21 =	simm.s32 $0x1000;
	[sflag:s18] =	ssyncadd.s32 $0xFFFFC000  }
.LBB2_2:
0x55: {  	[hbm4b:s23+s3] =	stream.linear.scatter [tilespmem:s14], [sflag:$0x4], $0x8000, $0x38;
	[tilespmem:$0xA980] =	vst v63  }
0x56: {  	s23 =	smov.u32 s21;
	s21 =	sadd.s32 $0x1000, s21  }
0x57: {  	[tilespmem:s10], [sflag:$0x1] =	stream.linear.gather [hbm4b:s22+s3], $0x100, $0x38;
	[tilespmem:$0xA980] =	vst v63  }
0x58: {  	p0 =	sne.s32 s5, s21;
	_ =	swait.ge [sflag:s11], $0x100  }
0x59: {  	[sflag:s11] =	ssyncset.done $0x0  }
0x5a: {  	[sflag:s11] =	ssyncadd.s32 $0xFFFFFF00  }
0x5b: {  	v0 =	vld [tilespmem:$0x2780]  }
0x5c: {  	v1 =	vld [tilespmem:$0x2790]  }
0x5d: {  	v2 =	vld [tilespmem:$0x27A0]  }
0x5e: {  	v3 =	vld [tilespmem:$0x27B0]  }
0x5f: {  	v4 =	vld [tilespmem:$0x27C0]  }
0x60: {  	v5 =	vld [tilespmem:$0x27D0]  }
0x61: {  	v6 =	vld [tilespmem:$0x27E0]  }
0x62: {  	v7 =	vld [tilespmem:$0x27F0]  }
0x63: {  	v0 =	vld.idx.msk [tilespmem:v0+s3+$0x0], $0xffff  }
0x64: {  	v8 =	vld [tilespmem:$0x2800]  }
0x65: {  	v9 =	vld [tilespmem:$0x2810]  }
0x66: {  	v10 =	vld [tilespmem:$0x2820]  }
0x67: {  	v11 =	vld [tilespmem:$0x2830]  }
0x68: {  	v12 =	vld [tilespmem:$0x2840]  }
0x69: {  	[tilespmem:$0x2880] =	vst v0;
	v0 =	vld [tilespmem:$0x2850]  }
0x6a: {  	v1 =	vld.idx.msk [tilespmem:v1+s3+$0x0], $0xffff  }
0x6b: {  	v13 =	vld [tilespmem:$0x2860]  }
0x6c: {  	v14 =	vld [tilespmem:$0x2870];
	_ =	sdelay $0x3  }
0x6d: {  	[tilespmem:$0x2890] =	vst v1  }
0x6e: {  	v1 =	vld.idx.msk [tilespmem:v2+s3+$0x0], $0xffff;
	_ =	sdelay $0x5  }
0x6f: {  	[tilespmem:$0x28A0] =	vst v1  }
0x70: {  	v1 =	vld.idx.msk [tilespmem:v3+s3+$0x0], $0xffff;
	_ =	sdelay $0x5  }
0x71: {  	[tilespmem:$0x28B0] =	vst v1  }
0x72: {  	v1 =	vld.idx.msk [tilespmem:v4+s3+$0x0], $0xffff;
	_ =	sdelay $0x5  }
0x73: {  	[tilespmem:$0x28C0] =	vst v1  }
0x74: {  	v1 =	vld.idx.msk [tilespmem:v5+s3+$0x0], $0xffff;
	_ =	sdelay $0x5  }
0x75: {  	[tilespmem:$0x28D0] =	vst v1  }
0x76: {  	v1 =	vld.idx.msk [tilespmem:v6+s3+$0x0], $0xffff;
	_ =	sdelay $0x5  }
0x77: {  	[tilespmem:$0x28E0] =	vst v1  }
0x78: {  	v1 =	vld.idx.msk [tilespmem:v7+s3+$0x0], $0xffff;
	_ =	sdelay $0x5  }
0x79: {  	[tilespmem:$0x28F0] =	vst v1  }
0x7a: {  	v1 =	vld.idx.msk [tilespmem:v8+s3+$0x0], $0xffff;
	_ =	sdelay $0x5  }
0x7b: {  	[tilespmem:$0x2900] =	vst v1  }
0x7c: {  	v1 =	vld.idx.msk [tilespmem:v9+s3+$0x0], $0xffff;
	_ =	sdelay $0x5  }
0x7d: {  	[tilespmem:$0x2910] =	vst v1  }
0x7e: {  	v1 =	vld.idx.msk [tilespmem:v10+s3+$0x0], $0xffff;
	_ =	sdelay $0x5  }
0x7f: {  	[tilespmem:$0x2920] =	vst v1  }
0x80: {  	v1 =	vld.idx.msk [tilespmem:v11+s3+$0x0], $0xffff;
	_ =	sdelay $0x5  }
0x81: {  	[tilespmem:$0x2930] =	vst v1  }
0x82: {  	v1 =	vld.idx.msk [tilespmem:v12+s3+$0x0], $0xffff;
	_ =	sdelay $0x5  }
0x83: {  	[tilespmem:$0x2940] =	vst v1  }
0x84: {  	v0 =	vld.idx.msk [tilespmem:v0+s3+$0x0], $0xffff;
	_ =	sdelay $0x5  }
0x85: {  	[tilespmem:$0x2950] =	vst v0  }
0x86: {  	v0 =	vld.idx.msk [tilespmem:v13+s3+$0x0], $0xffff;
	_ =	sdelay $0x5  }
0x87: {  	[tilespmem:$0x2960] =	vst v0  }
0x88: {  	v0 =	vld.idx.msk [tilespmem:v14+s3+$0x0], $0xffff;
	_ =	sdelay $0x4  }
0x89: {  	p1 =	seq.s32 s23, $0x0  }
0x8a: {  	s24 =	simm.s32 @!p1 $0x4;
	[tilespmem:$0x2970] =	vst v0  }
0x8b: {  	_ =	swait.ge @!p1 [sflag:s24], $0x8000  }
0x8c: {  	[sflag:s24] =	ssyncset.done @!p1 $0x0  }
0x8d: {  	[sflag:s24] =	ssyncadd.s32 @!p1 $0xFFFF8000  }
0x8e: {  	[tilespmem:s14], [sflag:$0x2] =	stream.indirect.gather [hbm4b:s1+s12], $0x80, s13, s12, $0xb8;
	[tilespmem:$0xA980] =	vst v63  }
0x8f: {  	_ = 	snop  }
0x90: {  	[tilespmem:s16], [sflag:$0x3] =	stream.indirect.gather [hbm4b:s1+s12], $0x80, s15, s12, $0xb8;
	[tilespmem:$0xA980] =	vst v63  }
0x91: {  	_ =	swait.ge [sflag:s17], $0x4000  }
.Ltmp1:
0x92: {  	[sflag:s17] =	ssyncset.done $0x0;
	(pc) =	sbr.rel @p0 .LBB2_2-.Ltmp1, $4  }
0x93: {  	[sflag:s17] =	ssyncadd.s32 $0xFFFFC000  }
0x94: {  	_ =	swait.ge [sflag:s18], $0x4000  }
0x95: {  	[sflag:s18] =	ssyncset.done $0x0  }
0x96: {  	s23 =	sadd.s32 s23, s8;
	s22 =	sadd.s32 $0x20, s22;
	[sflag:s18] =	ssyncadd.s32 $0xFFFFC000  }
.LBB2_3:
0x97: {  	s20 =	sadd.s32 $0x1, s20  }
0x98: {  	p0 =	sne.s32 s20, s6  }
.Ltmp2:
0x99: {  	_ = 	snop;
	(pc) =	sbr.rel @p0 .LBB2_1-.Ltmp2, $4  }
0x9a: {  	[hbm4b:s23+s3] =	stream.linear.scatter [tilespmem:s14], [sflag:$0x4], $0x8000, $0x38;
	[tilespmem:$0xA980] =	vst v63  }
0x9b: {  	_ =	swait.ge [sflag:s19], $0x8000  }
0x9c: {  	[sflag:s19] =	ssyncset.done $0x0  }
0x9d: {  	[sflag:s19] =	ssyncadd.s32 $0xFFFF8000  }
0x9e: {  	_ =	sfence.sel $0x180000  }
0x9f: {  	[bflag:$0x0] =	sbarrier.arrive $0xFFFF  }
0xa0: {  	p0 =	sne.s32 s0, $0x0;
	_ =	strace $0x90000047  }
0xa1: {  	s0 =	sadd.s32 @!p0 $0x100000, s2;
	[bflag:$0x2] =	sbarrier.arrive $0xFFFF  }
0xa2: {  	[sflag:s0] =	ssyncadd.tile.s32 @!p0 $0x1;
	_ =	shalt  }
.Lfunc_end2:
_tile_overlayer_lowered:
.L_overlay_start_2:
0xa3: {  	(tag) =	ssettag $0x2  }
0xa4: {  	s0 =	rddreg [dreg:$0x0];
	s2 =	stileid.u32  }
0xa5: {  	s1 =	rddreg [dreg:$0x1];
	p0 =	sne.s32 s2, $0x0  }
0xa6: {  	s3 =	rddreg [dreg:$0x2];
	[bflag:$0x3] =	sbarrier.arrive $0xFFFF;
	s2 =	simm.s32 @!p0 $0x1C05  }
0xa7: {  	[timem:s3], [sflag:s2] =	dma.local @!p0 [hbm:s0], s1  }
0xa8: {  	s0 =	simm.s32 @!p0 $0x5  }
0xa9: {  	_ =	swait.ge @!p0 [sflag:s0], s1  }
0xaa: {  	s1 =	ssub.s32 @!p0 $0x0, s1;
	[sflag:s0] =	ssyncset.done @!p0 $0x0  }
0xab: {  	[sflag:s0] =	ssyncadd.s32 @!p0 s1  }
0xac: {  	[bflag:$0x3] =	sbarrier.arrive $0xFFFF  }
0xad: {  	_ =	shalt  }

</sc_bundles>
